<compile_context>
chip_gen: v7x
topology: tpu7x:2x2x1
jax: 0.10.2.dev20260603
libtpu: 0.0.44.dev20260713+nightly
codegen_flags: <defaults>
</compile_context>

<pallas_src>
import functools

import jax
import jax.numpy as jnp
from jax import lax
from jax.experimental import pallas as pl
from jax.experimental.pallas import tpu as pltpu
from jax.experimental.pallas import tpu_sc as plsc

B = 16384
LT = 20
LD = 200
V = 100000
D = 64
C = 100
H = 128

NC = 2
NS = 16
NW = NC * NS
RPW = B // NW
DCH = 8
NCH = LD // DCH


def _scores_body(et_ref, w2_ref, out_ref):
    s = lax.dot_general(
        w2_ref[...], et_ref[...],
        dimension_numbers=(((1,), (0,)), ((), ())),
        preferred_element_type=jnp.float32)
    st = lax.bitcast_convert_type(
        s[0:1, :].astype(jnp.bfloat16), jnp.uint16).astype(jnp.uint32)
    sd = lax.bitcast_convert_type(
        s[1:2, :].astype(jnp.bfloat16), jnp.uint16).astype(jnp.uint32)
    packed = (st << 16) | sd
    out_ref[...] = lax.bitcast_convert_type(packed, jnp.int32)


def _compute_scores(ET, w2):
    VB = 12800
    return pl.pallas_call(
        _scores_body,
        grid=(pl.cdiv(V, VB),),
        in_specs=[
            pl.BlockSpec((D, VB), lambda i: (0, i)),
            pl.BlockSpec((2, D), lambda i: (0, 0)),
        ],
        out_specs=pl.BlockSpec((1, VB), lambda i: (0, i)),
        out_shape=jax.ShapeDtypeStruct((1, V), jnp.int32),
    )(ET, w2)


def _sc_pool(s2, titleT, descT):
    mesh = plsc.VectorSubcoreMesh(core_axis_name="c", subcore_axis_name="s")

    @functools.partial(
        pl.kernel,
        mesh=mesh,
        out_type=jax.ShapeDtypeStruct((B,), jnp.float32),
        compiler_params=pltpu.CompilerParams(needs_layout_passes=False),
        scratch_types=[
            pltpu.VMEM((V,), jnp.int32),
            pltpu.VMEM((LT, RPW), jnp.int32),
            pltpu.VMEM((DCH, RPW), jnp.int32),
            pltpu.VMEM((DCH, RPW), jnp.int32),
            pltpu.VMEM((RPW,), jnp.float32),
            pltpu.SemaphoreType.DMA,
            pltpu.SemaphoreType.DMA,
            pltpu.SemaphoreType.DMA,
        ],
    )
    def k(s2_hbm, titleT_hbm, descT_hbm, out_hbm, table_v, tidx_v, buf_a,
          buf_b, acc_v, semT, semA, semB):
        w = lax.axis_index("c") * NS + lax.axis_index("s")
        r0 = w * RPW
        himask = jnp.full((16,), -65536, jnp.int32)

        tcp = pltpu.make_async_copy(s2_hbm.at[0], table_v, semT)
        tcp.start()
        ti = pltpu.make_async_copy(
            titleT_hbm.at[:, pl.ds(r0, RPW)], tidx_v, semT)
        ti.start()
        pltpu.make_async_copy(
            descT_hbm.at[pl.ds(0, DCH), pl.ds(r0, RPW)], buf_a,
            semA).start()
        pltpu.make_async_copy(
            descT_hbm.at[pl.ds(DCH, DCH), pl.ds(r0, RPW)], buf_b,
            semB).start()
        tcp.wait()
        ti.wait()

        def title_group(g, carry):
            acc0 = jnp.zeros((16,), jnp.float32)
            acc1 = jnp.zeros((16,), jnp.float32)
            for t in range(LT):
                iv = tidx_v[t, pl.ds(g * 16, 16)]
                word = plsc.load_gather(table_v, [iv])
                vals = plsc.bitcast(word & himask, jnp.float32)
                if t % 2 == 0:
                    acc0 = acc0 + vals
                else:
                    acc1 = acc1 + vals
            acc_v[pl.ds(g * 16, 16)] = acc0 + acc1
            return carry

        lax.fori_loop(0, RPW // 16, title_group, 0)

        def desc_chunk(buf):
            def group(i, c2):
                for half in range(2):
                    g = 2 * i + half
                    acc0 = jnp.zeros((16,), jnp.float32)
                    acc1 = jnp.zeros((16,), jnp.float32)
                    for t in range(DCH):
                        iv = buf[t, pl.ds(g * 16, 16)]
                        word = plsc.load_gather(table_v, [iv])
                        vals = plsc.bitcast(word << 16, jnp.float32)
                        if t % 2 == 0:
                            acc0 = acc0 + vals
                        else:
                            acc1 = acc1 + vals
                    acc_v[pl.ds(g * 16, 16)] = (acc_v[pl.ds(g * 16, 16)]
                                                + (acc0 + acc1))
                return c2

            lax.fori_loop(0, RPW // 32, group, 0)

        def pair(p, carry):
            c = 2 * p
            pltpu.make_async_copy(
                descT_hbm.at[pl.ds(0, DCH), pl.ds(r0, RPW)], buf_a,
                semA).wait()
            desc_chunk(buf_a)
            pltpu.make_async_copy(
                descT_hbm.at[pl.ds((c + 2) * DCH, DCH), pl.ds(r0, RPW)],
                buf_a, semA).start()

            pltpu.make_async_copy(
                descT_hbm.at[pl.ds(0, DCH), pl.ds(r0, RPW)], buf_b,
                semB).wait()
            desc_chunk(buf_b)

            @pl.when(p < NCH // 2 - 1)
            def _():
                pltpu.make_async_copy(
                    descT_hbm.at[pl.ds((c + 3) * DCH, DCH),
                                 pl.ds(r0, RPW)], buf_b, semB).start()

            return carry

        lax.fori_loop(0, NCH // 2, pair, 0)

        pltpu.make_async_copy(
            descT_hbm.at[pl.ds(0, DCH), pl.ds(r0, RPW)], buf_a,
            semA).wait()
        desc_chunk(buf_a)

        pltpu.sync_copy(acc_v, out_hbm.at[pl.ds(r0, RPW)])

    return k(s2, titleT, descT)


def _cat_body(catT_ref, wcatT_ref, bcat_ref, wh_ref, bout_ref, out_ref):
    h = lax.dot_general(
        wcatT_ref[...], catT_ref[...],
        dimension_numbers=(((0,), (0,)), ((), ())),
        preferred_element_type=jnp.float32)
    h = jnp.maximum(h + bcat_ref[...], 0.0)
    o = lax.dot_general(
        wh_ref[...], h,
        dimension_numbers=(((1,), (0,)), ((), ())),
        preferred_element_type=jnp.float32)
    out_ref[...] = o + bout_ref[0, 0]


def _cat_part(CatT, WcatT, b_cat2, wh2, b_out2):
    BB = 2048
    return pl.pallas_call(
        _cat_body,
        grid=(B // BB,),
        in_specs=[
            pl.BlockSpec((C, BB), lambda i: (0, i)),
            pl.BlockSpec((C, H), lambda i: (0, 0)),
            pl.BlockSpec((H, 1), lambda i: (0, 0)),
            pl.BlockSpec((1, H), lambda i: (0, 0)),
            pl.BlockSpec((1, 1), lambda i: (0, 0)),
        ],
        out_specs=pl.BlockSpec((1, BB), lambda i: (0, i)),
        out_shape=jax.ShapeDtypeStruct((1, B), jnp.float32),
    )(CatT, WcatT, b_cat2, wh2, b_out2)


def _add_body(a_ref, b_ref, out_ref):
    out_ref[...] = a_ref[...] + b_ref[...]


def _add_final(cat2, emb2):
    BB = 8192
    return pl.pallas_call(
        _add_body,
        grid=(B // BB,),
        in_specs=[
            pl.BlockSpec((1, BB), lambda i: (0, i)),
            pl.BlockSpec((1, BB), lambda i: (0, i)),
        ],
        out_specs=pl.BlockSpec((1, BB), lambda i: (0, i)),
        out_shape=jax.ShapeDtypeStruct((1, B), jnp.float32),
    )(cat2, emb2)


def kernel(Title, FullDescription, Categorical, embedding_matrix, W_cat,
           b_cat, W_out, b_out):
    w2 = jnp.stack([W_out[0, :D] * (1.0 / LT),
                    W_out[0, D:2 * D] * (1.0 / LD)], axis=0)
    s2 = _compute_scores(embedding_matrix.T, w2)

    emb_part = _sc_pool(s2, Title.T.astype(jnp.int32),
                        FullDescription.T.astype(jnp.int32))

    cat2 = _cat_part(Categorical.T, W_cat.T, b_cat.reshape(H, 1),
                     W_out[0:1, 2 * D:], b_out.reshape(1, 1))
    out2 = _add_final(cat2, emb_part.reshape(1, B))
    return out2.reshape(B)

# --- scband reference (transcript-rebuilt; emitter-appended) ---
"""Pipeline reference for scband-pretrained-embeddings-model-10419590660233 (READ-ONLY COPY).

The authoritative reference and input builder live on the scoring server;
editing this copy changes nothing except your own understanding.
"""

import jax, jax.numpy as jnp
import numpy as np

B = 16384
LT = 20
LD = 200
V = 100000
D = 64
C = 100
H = 128

def setup_inputs(seed: int = 0) -> dict:
    key = jax.random.key(seed)
    ks = jax.random.split(key, 7)
    return {
        "Title": jax.random.randint(ks[0], (B, LT), 0, V, dtype=jnp.int64 if jax.config.jax_enable_x64 else jnp.int32),
        "FullDescription": jax.random.randint(ks[1], (B, LD), 0, V, dtype=jnp.int64 if jax.config.jax_enable_x64 else jnp.int32),
        "Categorical": jax.random.normal(ks[2], (B, C), dtype=jnp.float32),
        "embedding_matrix": jax.random.normal(ks[3], (V, D), dtype=jnp.float32) * 0.02,
        "W_cat": jax.random.normal(ks[4], (H, C), dtype=jnp.float32) * 0.02,
        "b_cat": jnp.zeros((H,), dtype=jnp.float32),
        "W_out": jax.random.normal(ks[5], (1, H + 2 * D), dtype=jnp.float32) * 0.02,
        "b_out": jnp.zeros((1,), dtype=jnp.float32),
    }

def reference(Title, FullDescription, Categorical, embedding_matrix, W_cat, b_cat, W_out, b_out):
    title_emb = jnp.take(embedding_matrix, Title, axis=0)   # [B, LT, D]
    desc_emb = jnp.take(embedding_matrix, FullDescription, axis=0)  # [B, LD, D]
    title_mean = title_emb.mean(axis=1)
    desc_mean = desc_emb.mean(axis=1)
    emb_out = jnp.concatenate([title_mean, desc_mean], axis=1)  # [B, 2D]
    cat_features = jax.nn.relu(Categorical @ W_cat.T + b_cat)   # [B, H]
    final_out = jnp.concatenate([emb_out, cat_features], axis=1)  # [B, 2D+H]
    return (final_out @ W_out.T + b_out).squeeze(-1)  # [B]

if __name__ == "__main__":
    import jax
    _d = setup_inputs()
    print(jax.jit(kernel)(*tuple(_d.values())))

</pallas_src>

<mosaic_0001>
#map = affine_map<(d0, d1) -> (0, 0)>
#map1 = affine_map<(d0, d1) -> (0)>
module attributes {stable_mosaic.version = 14 : i64} {
  func.func @k(%arg0: i32, %arg1: i32, %arg2: memref<1x100000xi32, #tpu.memory_space<hbm>>, %arg3: memref<20x16384xi32, #tpu.memory_space<hbm>>, %arg4: memref<200x16384xi32, #tpu.memory_space<hbm>>, %arg5: memref<16384xf32, #tpu.memory_space<hbm>>, %arg6: memref<100000xi32, #tpu.memory_space<vmem>>, %arg7: memref<20x512xi32, #tpu.memory_space<vmem>>, %arg8: memref<8x512xi32, #tpu.memory_space<vmem>>, %arg9: memref<8x512xi32, #tpu.memory_space<vmem>>, %arg10: memref<512xf32, #tpu.memory_space<vmem>>, %arg11: memref<!tpu.dma_semaphore, #tpu.memory_space<semaphore_mem>>, %arg12: memref<!tpu.dma_semaphore, #tpu.memory_space<semaphore_mem>>, %arg13: memref<!tpu.dma_semaphore, #tpu.memory_space<semaphore_mem>>) attributes {dimension_semantics = [#tpu.dimension_semantics<core_parallel>, #tpu.dimension_semantics<subcore_parallel>], iteration_bounds = array<i64: 2, 16>, scalar_prefetch = 0 : i64, scratch_operands = 8 : i64, tpu.core_type = #tpu.core_type<sc_vector_subcore>, window_params = [{transform_indices = #map}, {transform_indices = #map}, {transform_indices = #map}, {transform_indices = #map1}]} {
    %mul3A = arith.constant 16 : i32
    %mul3A_0 = arith.muli %arg0, %mul3A : i32
    %add3A = arith.addi %mul3A_0, %arg1 : i32
    %mul3A_1 = arith.constant 512 : i32
    %mul3A_2 = arith.muli %add3A, %mul3A_1 : i32
    %broadcast_in_dim3A = arith.constant -65536 : i32
    %broadcast_in_dim3A_3 = vector.broadcast %broadcast_in_dim3A : i32 to vector<16xi32>
    %dma_start3A = arith.constant 0 : i32
    %dma_start3A_4 = arith.constant 0 : i32
    %dma_start3A_5 = tpu.memref_slice %arg2[%dma_start3A, %dma_start3A_4] : memref<1x100000xi32, #tpu.memory_space<hbm>> -> memref<1x100000xi32, #tpu.memory_space<hbm>>
    %dma_start3A_6 = tpu.memref_squeeze %dma_start3A_5 : memref<1x100000xi32, #tpu.memory_space<hbm>> -> memref<100000xi32, #tpu.memory_space<hbm>>
    %dma_start3A_7 = arith.constant 0 : i32
    %dma_start3A_8 = tpu.memref_slice %arg2[%dma_start3A, %dma_start3A_7] : memref<1x100000xi32, #tpu.memory_space<hbm>> -> memref<1x100000xi32, #tpu.memory_space<hbm>>
    %dma_start3A_9 = tpu.memref_squeeze %dma_start3A_8 : memref<1x100000xi32, #tpu.memory_space<hbm>> -> memref<100000xi32, #tpu.memory_space<hbm>>
    tpu.enqueue_dma source(%dma_start3A_9 : memref<100000xi32, #tpu.memory_space<hbm>>) target(%arg6 : memref<100000xi32, #tpu.memory_space<vmem>>) target_semaphore(%arg11 : memref<!tpu.dma_semaphore, #tpu.memory_space<semaphore_mem>>)
    %dma_start3A_10 = arith.constant 0 : i32
    %dma_start3A_11 = tpu.memref_slice %arg3[%dma_start3A_10, %mul3A_2] : memref<20x16384xi32, #tpu.memory_space<hbm>> -> memref<20x512xi32, #tpu.memory_space<hbm>>
    %dma_start3A_12 = arith.constant 0 : i32
    %dma_start3A_13 = tpu.memref_slice %arg3[%dma_start3A_12, %mul3A_2] : memref<20x16384xi32, #tpu.memory_space<hbm>> -> memref<20x512xi32, #tpu.memory_space<hbm>>
    tpu.enqueue_dma source(%dma_start3A_13 : memref<20x512xi32, #tpu.memory_space<hbm>>) target(%arg7 : memref<20x512xi32, #tpu.memory_space<vmem>>) target_semaphore(%arg11 : memref<!tpu.dma_semaphore, #tpu.memory_space<semaphore_mem>>)
    %dma_start3A_14 = arith.constant 0 : i32
    %dma_start3A_15 = tpu.memref_slice %arg4[%dma_start3A_14, %mul3A_2] : memref<200x16384xi32, #tpu.memory_space<hbm>> -> memref<8x512xi32, #tpu.memory_space<hbm>>
    %dma_start3A_16 = arith.constant 0 : i32
    %dma_start3A_17 = tpu.memref_slice %arg4[%dma_start3A_16, %mul3A_2] : memref<200x16384xi32, #tpu.memory_space<hbm>> -> memref<8x512xi32, #tpu.memory_space<hbm>>
    tpu.enqueue_dma source(%dma_start3A_17 : memref<8x512xi32, #tpu.memory_space<hbm>>) target(%arg8 : memref<8x512xi32, #tpu.memory_space<vmem>>) target_semaphore(%arg12 : memref<!tpu.dma_semaphore, #tpu.memory_space<semaphore_mem>>)
    %dma_start3A_18 = arith.constant 8 : i32
    %dma_start3A_19 = tpu.memref_slice %arg4[%dma_start3A_18, %mul3A_2] : memref<200x16384xi32, #tpu.memory_space<hbm>> -> memref<8x512xi32, #tpu.memory_space<hbm>>
    %dma_start3A_20 = arith.constant 8 : i32
    %dma_start3A_21 = tpu.memref_slice %arg4[%dma_start3A_20, %mul3A_2] : memref<200x16384xi32, #tpu.memory_space<hbm>> -> memref<8x512xi32, #tpu.memory_space<hbm>>
    tpu.enqueue_dma source(%dma_start3A_21 : memref<8x512xi32, #tpu.memory_space<hbm>>) target(%arg9 : memref<8x512xi32, #tpu.memory_space<vmem>>) target_semaphore(%arg13 : memref<!tpu.dma_semaphore, #tpu.memory_space<semaphore_mem>>)
    %dma_wait3A = arith.constant 0 : i32
    %dma_wait3A_22 = arith.constant 0 : i32
    %dma_wait3A_23 = tpu.memref_slice %arg2[%dma_wait3A, %dma_wait3A_22] : memref<1x100000xi32, #tpu.memory_space<hbm>> -> memref<1x100000xi32, #tpu.memory_space<hbm>>
    %dma_wait3A_24 = tpu.memref_squeeze %dma_wait3A_23 : memref<1x100000xi32, #tpu.memory_space<hbm>> -> memref<100000xi32, #tpu.memory_space<hbm>>
    %dma_wait3A_25 = arith.constant 0 : i32
    %dma_wait3A_26 = tpu.memref_slice %arg2[%dma_wait3A, %dma_wait3A_25] : memref<1x100000xi32, #tpu.memory_space<hbm>> -> memref<1x100000xi32, #tpu.memory_space<hbm>>
    %dma_wait3A_27 = tpu.memref_squeeze %dma_wait3A_26 : memref<1x100000xi32, #tpu.memory_space<hbm>> -> memref<100000xi32, #tpu.memory_space<hbm>>
    tpu.wait_dma2 semaphore(%arg11 : memref<!tpu.dma_semaphore, #tpu.memory_space<semaphore_mem>>) src(%dma_wait3A_27 : memref<100000xi32, #tpu.memory_space<hbm>>) dst(%arg6 : memref<100000xi32, #tpu.memory_space<vmem>>)
    %dma_wait3A_28 = arith.constant 0 : i32
    %dma_wait3A_29 = tpu.memref_slice %arg3[%dma_wait3A_28, %mul3A_2] : memref<20x16384xi32, #tpu.memory_space<hbm>> -> memref<20x512xi32, #tpu.memory_space<hbm>>
    %dma_wait3A_30 = arith.constant 0 : i32
    %dma_wait3A_31 = tpu.memref_slice %arg3[%dma_wait3A_30, %mul3A_2] : memref<20x16384xi32, #tpu.memory_space<hbm>> -> memref<20x512xi32, #tpu.memory_space<hbm>>
    tpu.wait_dma2 semaphore(%arg11 : memref<!tpu.dma_semaphore, #tpu.memory_space<semaphore_mem>>) src(%dma_wait3A_31 : memref<20x512xi32, #tpu.memory_space<hbm>>) dst(%arg7 : memref<20x512xi32, #tpu.memory_space<vmem>>)
    %scan3A = arith.constant 0 : i32
    %scan3A_32 = arith.constant 0 : i32
    %scan3A_33 = arith.constant 32 : i32
    %scan3A_34 = arith.addi %scan3A_32, %scan3A_33 : i32
    %scan3A_35 = arith.constant 1 : i32
    scf.for %scan3A_53 = %scan3A_32 to %scan3A_34 step %scan3A_35  : i32 {
      %broadcast_in_dim3A_54 = arith.constant 0.000000e+00 : f32
      %broadcast_in_dim3A_55 = vector.broadcast %broadcast_in_dim3A_54 : f32 to vector<16xf32>
      %broadcast_in_dim3A_56 = arith.constant 0.000000e+00 : f32
      %broadcast_in_dim3A_57 = vector.broadcast %broadcast_in_dim3A_56 : f32 to vector<16xf32>
      %mul3A_58 = arith.constant 16 : i32
      %mul3A_59 = arith.muli %scan3A_53, %mul3A_58 : i32
      %get3A = arith.constant 0 : i32
      %get3A_60 = arith.index_cast %get3A : i32 to index
      %get3A_61 = arith.index_cast %mul3A_59 : i32 to index
      %get3A_62 = tpu.vector_load %arg7[%get3A_60, %get3A_61] {strides = array<i32>} : memref<20x512xi32, #tpu.memory_space<vmem>>, vector<16xi32>,
      %gather3A = tpu.vector_load_idx %arg6[%get3A_62] : memref<100000xi32, #tpu.memory_space<vmem>>[vector<16xi32>], vector<16xi32>,
      %and3A = arith.andi %gather3A, %broadcast_in_dim3A_3 : vector<16xi32>
      %bitcast3A = vector.bitcast %and3A : vector<16xi32> to vector<16xf32>
      %add3A_63 = arith.addf %broadcast_in_dim3A_55, %bitcast3A : vector<16xf32>
      %mul3A_64 = arith.constant 16 : i32
      %mul3A_65 = arith.muli %scan3A_53, %mul3A_64 : i32
      %get3A_66 = arith.constant 1 : i32
      %get3A_67 = arith.index_cast %get3A_66 : i32 to index
      %get3A_68 = arith.index_cast %mul3A_65 : i32 to index
      %get3A_69 = tpu.vector_load %arg7[%get3A_67, %get3A_68] {strides = array<i32>} : memref<20x512xi32, #tpu.memory_space<vmem>>, vector<16xi32>,
      %gather3A_70 = tpu.vector_load_idx %arg6[%get3A_69] : memref<100000xi32, #tpu.memory_space<vmem>>[vector<16xi32>], vector<16xi32>,
      %and3A_71 = arith.andi %gather3A_70, %broadcast_in_dim3A_3 : vector<16xi32>
      %bitcast3A_72 = vector.bitcast %and3A_71 : vector<16xi32> to vector<16xf32>
      %add3A_73 = arith.addf %broadcast_in_dim3A_57, %bitcast3A_72 : vector<16xf32>
      %mul3A_74 = arith.constant 16 : i32
      %mul3A_75 = arith.muli %scan3A_53, %mul3A_74 : i32
      %get3A_76 = arith.constant 2 : i32
      %get3A_77 = arith.index_cast %get3A_76 : i32 to index
      %get3A_78 = arith.index_cast %mul3A_75 : i32 to index
      %get3A_79 = tpu.vector_load %arg7[%get3A_77, %get3A_78] {strides = array<i32>} : memref<20x512xi32, #tpu.memory_space<vmem>>, vector<16xi32>,
      %gather3A_80 = tpu.vector_load_idx %arg6[%get3A_79] : memref<100000xi32, #tpu.memory_space<vmem>>[vector<16xi32>], vector<16xi32>,
      %and3A_81 = arith.andi %gather3A_80, %broadcast_in_dim3A_3 : vector<16xi32>
      %bitcast3A_82 = vector.bitcast %and3A_81 : vector<16xi32> to vector<16xf32>
      %add3A_83 = arith.addf %add3A_63, %bitcast3A_82 : vector<16xf32>
      %mul3A_84 = arith.constant 16 : i32
      %mul3A_85 = arith.muli %scan3A_53, %mul3A_84 : i32
      %get3A_86 = arith.constant 3 : i32
      %get3A_87 = arith.index_cast %get3A_86 : i32 to index
      %get3A_88 = arith.index_cast %mul3A_85 : i32 to index
      %get3A_89 = tpu.vector_load %arg7[%get3A_87, %get3A_88] {strides = array<i32>} : memref<20x512xi32, #tpu.memory_space<vmem>>, vector<16xi32>,
      %gather3A_90 = tpu.vector_load_idx %arg6[%get3A_89] : memref<100000xi32, #tpu.memory_space<vmem>>[vector<16xi32>], vector<16xi32>,
      %and3A_91 = arith.andi %gather3A_90, %broadcast_in_dim3A_3 : vector<16xi32>
      %bitcast3A_92 = vector.bitcast %and3A_91 : vector<16xi32> to vector<16xf32>
      %add3A_93 = arith.addf %add3A_73, %bitcast3A_92 : vector<16xf32>
      %mul3A_94 = arith.constant 16 : i32
      %mul3A_95 = arith.muli %scan3A_53, %mul3A_94 : i32
      %get3A_96 = arith.constant 4 : i32
      %get3A_97 = arith.index_cast %get3A_96 : i32 to index
      %get3A_98 = arith.index_cast %mul3A_95 : i32 to index
      %get3A_99 = tpu.vector_load %arg7[%get3A_97, %get3A_98] {strides = array<i32>} : memref<20x512xi32, #tpu.memory_space<vmem>>, vector<16xi32>,
      %gather3A_100 = tpu.vector_load_idx %arg6[%get3A_99] : memref<100000xi32, #tpu.memory_space<vmem>>[vector<16xi32>], vector<16xi32>,
      %and3A_101 = arith.andi %gather3A_100, %broadcast_in_dim3A_3 : vector<16xi32>
      %bitcast3A_102 = vector.bitcast %and3A_101 : vector<16xi32> to vector<16xf32>
      %add3A_103 = arith.addf %add3A_83, %bitcast3A_102 : vector<16xf32>
      %mul3A_104 = arith.constant 16 : i32
      %mul3A_105 = arith.muli %scan3A_53, %mul3A_104 : i32
      %get3A_106 = arith.constant 5 : i32
      %get3A_107 = arith.index_cast %get3A_106 : i32 to index
      %get3A_108 = arith.index_cast %mul3A_105 : i32 to index
      %get3A_109 = tpu.vector_load %arg7[%get3A_107, %get3A_108] {strides = array<i32>} : memref<20x512xi32, #tpu.memory_space<vmem>>, vector<16xi32>,
      %gather3A_110 = tpu.vector_load_idx %arg6[%get3A_109] : memref<100000xi32, #tpu.memory_space<vmem>>[vector<16xi32>], vector<16xi32>,
      %and3A_111 = arith.andi %gather3A_110, %broadcast_in_dim3A_3 : vector<16xi32>
      %bitcast3A_112 = vector.bitcast %and3A_111 : vector<16xi32> to vector<16xf32>
      %add3A_113 = arith.addf %add3A_93, %bitcast3A_112 : vector<16xf32>
      %mul3A_114 = arith.constant 16 : i32
      %mul3A_115 = arith.muli %scan3A_53, %mul3A_114 : i32
      %get3A_116 = arith.constant 6 : i32
      %get3A_117 = arith.index_cast %get3A_116 : i32 to index
      %get3A_118 = arith.index_cast %mul3A_115 : i32 to index
      %get3A_119 = tpu.vector_load %arg7[%get3A_117, %get3A_118] {strides = array<i32>} : memref<20x512xi32, #tpu.memory_space<vmem>>, vector<16xi32>,
      %gather3A_120 = tpu.vector_load_idx %arg6[%get3A_119] : memref<100000xi32, #tpu.memory_space<vmem>>[vector<16xi32>], vector<16xi32>,
      %and3A_121 = arith.andi %gather3A_120, %broadcast_in_dim3A_3 : vector<16xi32>
      %bitcast3A_122 = vector.bitcast %and3A_121 : vector<16xi32> to vector<16xf32>
      %add3A_123 = arith.addf %add3A_103, %bitcast3A_122 : vector<16xf32>
      %mul3A_124 = arith.constant 16 : i32
      %mul3A_125 = arith.muli %scan3A_53, %mul3A_124 : i32
      %get3A_126 = arith.constant 7 : i32
      %get3A_127 = arith.index_cast %get3A_126 : i32 to index
      %get3A_128 = arith.index_cast %mul3A_125 : i32 to index
      %get3A_129 = tpu.vector_load %arg7[%get3A_127, %get3A_128] {strides = array<i32>} : memref<20x512xi32, #tpu.memory_space<vmem>>, vector<16xi32>,
      %gather3A_130 = tpu.vector_load_idx %arg6[%get3A_129] : memref<100000xi32, #tpu.memory_space<vmem>>[vector<16xi32>], vector<16xi32>,
      %and3A_131 = arith.andi %gather3A_130, %broadcast_in_dim3A_3 : vector<16xi32>
      %bitcast3A_132 = vector.bitcast %and3A_131 : vector<16xi32> to vector<16xf32>
      %add3A_133 = arith.addf %add3A_113, %bitcast3A_132 : vector<16xf32>
      %mul3A_134 = arith.constant 16 : i32
      %mul3A_135 = arith.muli %scan3A_53, %mul3A_134 : i32
      %get3A_136 = arith.constant 8 : i32
      %get3A_137 = arith.index_cast %get3A_136 : i32 to index
      %get3A_138 = arith.index_cast %mul3A_135 : i32 to index
      %get3A_139 = tpu.vector_load %arg7[%get3A_137, %get3A_138] {strides = array<i32>} : memref<20x512xi32, #tpu.memory_space<vmem>>, vector<16xi32>,
      %gather3A_140 = tpu.vector_load_idx %arg6[%get3A_139] : memref<100000xi32, #tpu.memory_space<vmem>>[vector<16xi32>], vector<16xi32>,
      %and3A_141 = arith.andi %gather3A_140, %broadcast_in_dim3A_3 : vector<16xi32>
      %bitcast3A_142 = vector.bitcast %and3A_141 : vector<16xi32> to vector<16xf32>
      %add3A_143 = arith.addf %add3A_123, %bitcast3A_142 : vector<16xf32>
      %mul3A_144 = arith.constant 16 : i32
      %mul3A_145 = arith.muli %scan3A_53, %mul3A_144 : i32
      %get3A_146 = arith.constant 9 : i32
      %get3A_147 = arith.index_cast %get3A_146 : i32 to index
      %get3A_148 = arith.index_cast %mul3A_145 : i32 to index
      %get3A_149 = tpu.vector_load %arg7[%get3A_147, %get3A_148] {strides = array<i32>} : memref<20x512xi32, #tpu.memory_space<vmem>>, vector<16xi32>,
      %gather3A_150 = tpu.vector_load_idx %arg6[%get3A_149] : memref<100000xi32, #tpu.memory_space<vmem>>[vector<16xi32>], vector<16xi32>,
      %and3A_151 = arith.andi %gather3A_150, %broadcast_in_dim3A_3 : vector<16xi32>
      %bitcast3A_152 = vector.bitcast %and3A_151 : vector<16xi32> to vector<16xf32>
      %add3A_153 = arith.addf %add3A_133, %bitcast3A_152 : vector<16xf32>
      %mul3A_154 = arith.constant 16 : i32
      %mul3A_155 = arith.muli %scan3A_53, %mul3A_154 : i32
      %get3A_156 = arith.constant 10 : i32
      %get3A_157 = arith.index_cast %get3A_156 : i32 to index
      %get3A_158 = arith.index_cast %mul3A_155 : i32 to index
      %get3A_159 = tpu.vector_load %arg7[%get3A_157, %get3A_158] {strides = array<i32>} : memref<20x512xi32, #tpu.memory_space<vmem>>, vector<16xi32>,
      %gather3A_160 = tpu.vector_load_idx %arg6[%get3A_159] : memref<100000xi32, #tpu.memory_space<vmem>>[vector<16xi32>], vector<16xi32>,
      %and3A_161 = arith.andi %gather3A_160, %broadcast_in_dim3A_3 : vector<16xi32>
      %bitcast3A_162 = vector.bitcast %and3A_161 : vector<16xi32> to vector<16xf32>
      %add3A_163 = arith.addf %add3A_143, %bitcast3A_162 : vector<16xf32>
      %mul3A_164 = arith.constant 16 : i32
      %mul3A_165 = arith.muli %scan3A_53, %mul3A_164 : i32
      %get3A_166 = arith.constant 11 : i32
      %get3A_167 = arith.index_cast %get3A_166 : i32 to index
      %get3A_168 = arith.index_cast %mul3A_165 : i32 to index
      %get3A_169 = tpu.vector_load %arg7[%get3A_167, %get3A_168] {strides = array<i32>} : memref<20x512xi32, #tpu.memory_space<vmem>>, vector<16xi32>,
      %gather3A_170 = tpu.vector_load_idx %arg6[%get3A_169] : memref<100000xi32, #tpu.memory_space<vmem>>[vector<16xi32>], vector<16xi32>,
      %and3A_171 = arith.andi %gather3A_170, %broadcast_in_dim3A_3 : vector<16xi32>
      %bitcast3A_172 = vector.bitcast %and3A_171 : vector<16xi32> to vector<16xf32>
      %add3A_173 = arith.addf %add3A_153, %bitcast3A_172 : vector<16xf32>
      %mul3A_174 = arith.constant 16 : i32
      %mul3A_175 = arith.muli %scan3A_53, %mul3A_174 : i32
      %get3A_176 = arith.constant 12 : i32
      %get3A_177 = arith.index_cast %get3A_176 : i32 to index
      %get3A_178 = arith.index_cast %mul3A_175 : i32 to index
      %get3A_179 = tpu.vector_load %arg7[%get3A_177, %get3A_178] {strides = array<i32>} : memref<20x512xi32, #tpu.memory_space<vmem>>, vector<16xi32>,
      %gather3A_180 = tpu.vector_load_idx %arg6[%get3A_179] : memref<100000xi32, #tpu.memory_space<vmem>>[vector<16xi32>], vector<16xi32>,
      %and3A_181 = arith.andi %gather3A_180, %broadcast_in_dim3A_3 : vector<16xi32>
      %bitcast3A_182 = vector.bitcast %and3A_181 : vector<16xi32> to vector<16xf32>
      %add3A_183 = arith.addf %add3A_163, %bitcast3A_182 : vector<16xf32>
      %mul3A_184 = arith.constant 16 : i32
      %mul3A_185 = arith.muli %scan3A_53, %mul3A_184 : i32
      %get3A_186 = arith.constant 13 : i32
      %get3A_187 = arith.index_cast %get3A_186 : i32 to index
      %get3A_188 = arith.index_cast %mul3A_185 : i32 to index
      %get3A_189 = tpu.vector_load %arg7[%get3A_187, %get3A_188] {strides = array<i32>} : memref<20x512xi32, #tpu.memory_space<vmem>>, vector<16xi32>,
      %gather3A_190 = tpu.vector_load_idx %arg6[%get3A_189] : memref<100000xi32, #tpu.memory_space<vmem>>[vector<16xi32>], vector<16xi32>,
      %and3A_191 = arith.andi %gather3A_190, %broadcast_in_dim3A_3 : vector<16xi32>
      %bitcast3A_192 = vector.bitcast %and3A_191 : vector<16xi32> to vector<16xf32>
      %add3A_193 = arith.addf %add3A_173, %bitcast3A_192 : vector<16xf32>
      %mul3A_194 = arith.constant 16 : i32
      %mul3A_195 = arith.muli %scan3A_53, %mul3A_194 : i32
      %get3A_196 = arith.constant 14 : i32
      %get3A_197 = arith.index_cast %get3A_196 : i32 to index
      %get3A_198 = arith.index_cast %mul3A_195 : i32 to index
      %get3A_199 = tpu.vector_load %arg7[%get3A_197, %get3A_198] {strides = array<i32>} : memref<20x512xi32, #tpu.memory_space<vmem>>, vector<16xi32>,
      %gather3A_200 = tpu.vector_load_idx %arg6[%get3A_199] : memref<100000xi32, #tpu.memory_space<vmem>>[vector<16xi32>], vector<16xi32>,
      %and3A_201 = arith.andi %gather3A_200, %broadcast_in_dim3A_3 : vector<16xi32>
      %bitcast3A_202 = vector.bitcast %and3A_201 : vector<16xi32> to vector<16xf32>
      %add3A_203 = arith.addf %add3A_183, %bitcast3A_202 : vector<16xf32>
      %mul3A_204 = arith.constant 16 : i32
      %mul3A_205 = arith.muli %scan3A_53, %mul3A_204 : i32
      %get3A_206 = arith.constant 15 : i32
      %get3A_207 = arith.index_cast %get3A_206 : i32 to index
      %get3A_208 = arith.index_cast %mul3A_205 : i32 to index
      %get3A_209 = tpu.vector_load %arg7[%get3A_207, %get3A_208] {strides = array<i32>} : memref<20x512xi32, #tpu.memory_space<vmem>>, vector<16xi32>,
      %gather3A_210 = tpu.vector_load_idx %arg6[%get3A_209] : memref<100000xi32, #tpu.memory_space<vmem>>[vector<16xi32>], vector<16xi32>,
      %and3A_211 = arith.andi %gather3A_210, %broadcast_in_dim3A_3 : vector<16xi32>
      %bitcast3A_212 = vector.bitcast %and3A_211 : vector<16xi32> to vector<16xf32>
      %add3A_213 = arith.addf %add3A_193, %bitcast3A_212 : vector<16xf32>
      %mul3A_214 = arith.constant 16 : i32
      %mul3A_215 = arith.muli %scan3A_53, %mul3A_214 : i32
      %get3A_216 = arith.constant 16 : i32
      %get3A_217 = arith.index_cast %get3A_216 : i32 to index
      %get3A_218 = arith.index_cast %mul3A_215 : i32 to index
      %get3A_219 = tpu.vector_load %arg7[%get3A_217, %get3A_218] {strides = array<i32>} : memref<20x512xi32, #tpu.memory_space<vmem>>, vector<16xi32>,
      %gather3A_220 = tpu.vector_load_idx %arg6[%get3A_219] : memref<100000xi32, #tpu.memory_space<vmem>>[vector<16xi32>], vector<16xi32>,
      %and3A_221 = arith.andi %gather3A_220, %broadcast_in_dim3A_3 : vector<16xi32>
      %bitcast3A_222 = vector.bitcast %and3A_221 : vector<16xi32> to vector<16xf32>
      %add3A_223 = arith.addf %add3A_203, %bitcast3A_222 : vector<16xf32>
      %mul3A_224 = arith.constant 16 : i32
      %mul3A_225 = arith.muli %scan3A_53, %mul3A_224 : i32
      %get3A_226 = arith.constant 17 : i32
      %get3A_227 = arith.index_cast %get3A_226 : i32 to index
      %get3A_228 = arith.index_cast %mul3A_225 : i32 to index
      %get3A_229 = tpu.vector_load %arg7[%get3A_227, %get3A_228] {strides = array<i32>} : memref<20x512xi32, #tpu.memory_space<vmem>>, vector<16xi32>,
      %gather3A_230 = tpu.vector_load_idx %arg6[%get3A_229] : memref<100000xi32, #tpu.memory_space<vmem>>[vector<16xi32>], vector<16xi32>,
      %and3A_231 = arith.andi %gather3A_230, %broadcast_in_dim3A_3 : vector<16xi32>
      %bitcast3A_232 = vector.bitcast %and3A_231 : vector<16xi32> to vector<16xf32>
      %add3A_233 = arith.addf %add3A_213, %bitcast3A_232 : vector<16xf32>
      %mul3A_234 = arith.constant 16 : i32
      %mul3A_235 = arith.muli %scan3A_53, %mul3A_234 : i32
      %get3A_236 = arith.constant 18 : i32
      %get3A_237 = arith.index_cast %get3A_236 : i32 to index
      %get3A_238 = arith.index_cast %mul3A_235 : i32 to index
      %get3A_239 = tpu.vector_load %arg7[%get3A_237, %get3A_238] {strides = array<i32>} : memref<20x512xi32, #tpu.memory_space<vmem>>, vector<16xi32>,
      %gather3A_240 = tpu.vector_load_idx %arg6[%get3A_239] : memref<100000xi32, #tpu.memory_space<vmem>>[vector<16xi32>], vector<16xi32>,
      %and3A_241 = arith.andi %gather3A_240, %broadcast_in_dim3A_3 : vector<16xi32>
      %bitcast3A_242 = vector.bitcast %and3A_241 : vector<16xi32> to vector<16xf32>
      %add3A_243 = arith.addf %add3A_223, %bitcast3A_242 : vector<16xf32>
      %mul3A_244 = arith.constant 16 : i32
      %mul3A_245 = arith.muli %scan3A_53, %mul3A_244 : i32
      %get3A_246 = arith.constant 19 : i32
      %get3A_247 = arith.index_cast %get3A_246 : i32 to index
      %get3A_248 = arith.index_cast %mul3A_245 : i32 to index
      %get3A_249 = tpu.vector_load %arg7[%get3A_247, %get3A_248] {strides = array<i32>} : memref<20x512xi32, #tpu.memory_space<vmem>>, vector<16xi32>,
      %gather3A_250 = tpu.vector_load_idx %arg6[%get3A_249] : memref<100000xi32, #tpu.memory_space<vmem>>[vector<16xi32>], vector<16xi32>,
      %and3A_251 = arith.andi %gather3A_250, %broadcast_in_dim3A_3 : vector<16xi32>
      %bitcast3A_252 = vector.bitcast %and3A_251 : vector<16xi32> to vector<16xf32>
      %add3A_253 = arith.addf %add3A_233, %bitcast3A_252 : vector<16xf32>
      %add3A_254 = arith.addf %add3A_243, %add3A_253 : vector<16xf32>
      %mul3A_255 = arith.constant 16 : i32
      %mul3A_256 = arith.muli %scan3A_53, %mul3A_255 : i32
      %swap3A = arith.index_cast %mul3A_256 : i32 to index
      %swap3A_257 = tpu.vector_load %arg10[%swap3A] {strides = array<i32>} : memref<512xf32, #tpu.memory_space<vmem>>, vector<16xf32>,
      tpu.vector_store %arg10[%swap3A], %add3A_254 {strides = array<i32>} : memref<512xf32, #tpu.memory_space<vmem>>, vector<16xf32>,
    }
    %scan3A_36 = arith.constant 32 : i32
    %scan3A_37 = arith.constant 0 : i32
    %scan3A_38 = arith.constant 0 : i32
    %scan3A_39 = arith.constant 12 : i32
    %scan3A_40 = arith.addi %scan3A_38, %scan3A_39 : i32
    %scan3A_41 = arith.constant 1 : i32
    scf.for %scan3A_53 = %scan3A_38 to %scan3A_40 step %scan3A_41  : i32 {
      %mul3A_54 = arith.constant 2 : i32
      %mul3A_55 = arith.muli %mul3A_54, %scan3A_53 : i32
      %dma_wait3A_56 = arith.constant 0 : i32
      %dma_wait3A_57 = tpu.memref_slice %arg4[%dma_wait3A_56, %mul3A_2] : memref<200x16384xi32, #tpu.memory_space<hbm>> -> memref<8x512xi32, #tpu.memory_space<hbm>>
      %dma_wait3A_58 = arith.constant 0 : i32
      %dma_wait3A_59 = tpu.memref_slice %arg4[%dma_wait3A_58, %mul3A_2] : memref<200x16384xi32, #tpu.memory_space<hbm>> -> memref<8x512xi32, #tpu.memory_space<hbm>>
      tpu.wait_dma2 semaphore(%arg12 : memref<!tpu.dma_semaphore, #tpu.memory_space<semaphore_mem>>) src(%dma_wait3A_59 : memref<8x512xi32, #tpu.memory_space<hbm>>) dst(%arg8 : memref<8x512xi32, #tpu.memory_space<vmem>>)
      %scan3A_60 = arith.constant 0 : i32
      %scan3A_61 = arith.constant 0 : i32
      %scan3A_62 = arith.constant 16 : i32
      %scan3A_63 = arith.addi %scan3A_61, %scan3A_62 : i32
      %scan3A_64 = arith.constant 1 : i32
      scf.for %scan3A_84 = %scan3A_61 to %scan3A_63 step %scan3A_64  : i32 {
        %mul3A_85 = arith.constant 2 : i32
        %mul3A_86 = arith.muli %mul3A_85, %scan3A_84 : i32
        %add3A_87 = arith.constant 0 : i32
        %add3A_88 = arith.addi %mul3A_86, %add3A_87 : i32
        %broadcast_in_dim3A_89 = arith.constant 0.000000e+00 : f32
        %broadcast_in_dim3A_90 = vector.broadcast %broadcast_in_dim3A_89 : f32 to vector<16xf32>
        %broadcast_in_dim3A_91 = arith.constant 0.000000e+00 : f32
        %broadcast_in_dim3A_92 = vector.broadcast %broadcast_in_dim3A_91 : f32 to vector<16xf32>
        %mul3A_93 = arith.constant 16 : i32
        %mul3A_94 = arith.muli %add3A_88, %mul3A_93 : i32
        %get3A = arith.constant 0 : i32
        %get3A_95 = arith.index_cast %get3A : i32 to index
        %get3A_96 = arith.index_cast %mul3A_94 : i32 to index
        %get3A_97 = tpu.vector_load %arg8[%get3A_95, %get3A_96] {strides = array<i32>} : memref<8x512xi32, #tpu.memory_space<vmem>>, vector<16xi32>,
        %gather3A = tpu.vector_load_idx %arg6[%get3A_97] : memref<100000xi32, #tpu.memory_space<vmem>>[vector<16xi32>], vector<16xi32>,
        %shift_left3A = arith.constant 16 : i32
        %shift_left3A_98 = vector.broadcast %shift_left3A : i32 to vector<16xi32>
        %shift_left3A_99 = arith.shli %gather3A, %shift_left3A_98 : vector<16xi32>
        %bitcast3A = vector.bitcast %shift_left3A_99 : vector<16xi32> to vector<16xf32>
        %add3A_100 = arith.addf %broadcast_in_dim3A_90, %bitcast3A : vector<16xf32>
        %mul3A_101 = arith.constant 16 : i32
        %mul3A_102 = arith.muli %add3A_88, %mul3A_101 : i32
        %get3A_103 = arith.constant 1 : i32
        %get3A_104 = arith.index_cast %get3A_103 : i32 to index
        %get3A_105 = arith.index_cast %mul3A_102 : i32 to index
        %get3A_106 = tpu.vector_load %arg8[%get3A_104, %get3A_105] {strides = array<i32>} : memref<8x512xi32, #tpu.memory_space<vmem>>, vector<16xi32>,
        %gather3A_107 = tpu.vector_load_idx %arg6[%get3A_106] : memref<100000xi32, #tpu.memory_space<vmem>>[vector<16xi32>], vector<16xi32>,
        %shift_left3A_108 = arith.constant 16 : i32
        %shift_left3A_109 = vector.broadcast %shift_left3A_108 : i32 to vector<16xi32>
        %shift_left3A_110 = arith.shli %gather3A_107, %shift_left3A_109 : vector<16xi32>
        %bitcast3A_111 = vector.bitcast %shift_left3A_110 : vector<16xi32> to vector<16xf32>
        %add3A_112 = arith.addf %broadcast_in_dim3A_92, %bitcast3A_111 : vector<16xf32>
        %mul3A_113 = arith.constant 16 : i32
        %mul3A_114 = arith.muli %add3A_88, %mul3A_113 : i32
        %get3A_115 = arith.constant 2 : i32
        %get3A_116 = arith.index_cast %get3A_115 : i32 to index
        %get3A_117 = arith.index_cast %mul3A_114 : i32 to index
        %get3A_118 = tpu.vector_load %arg8[%get3A_116, %get3A_117] {strides = array<i32>} : memref<8x512xi32, #tpu.memory_space<vmem>>, vector<16xi32>,
        %gather3A_119 = tpu.vector_load_idx %arg6[%get3A_118] : memref<100000xi32, #tpu.memory_space<vmem>>[vector<16xi32>], vector<16xi32>,
        %shift_left3A_120 = arith.constant 16 : i32
        %shift_left3A_121 = vector.broadcast %shift_left3A_120 : i32 to vector<16xi32>
        %shift_left3A_122 = arith.shli %gather3A_119, %shift_left3A_121 : vector<16xi32>
        %bitcast3A_123 = vector.bitcast %shift_left3A_122 : vector<16xi32> to vector<16xf32>
        %add3A_124 = arith.addf %add3A_100, %bitcast3A_123 : vector<16xf32>
        %mul3A_125 = arith.constant 16 : i32
        %mul3A_126 = arith.muli %add3A_88, %mul3A_125 : i32
        %get3A_127 = arith.constant 3 : i32
        %get3A_128 = arith.index_cast %get3A_127 : i32 to index
        %get3A_129 = arith.index_cast %mul3A_126 : i32 to index
        %get3A_130 = tpu.vector_load %arg8[%get3A_128, %get3A_129] {strides = array<i32>} : memref<8x512xi32, #tpu.memory_space<vmem>>, vector<16xi32>,
        %gather3A_131 = tpu.vector_load_idx %arg6[%get3A_130] : memref<100000xi32, #tpu.memory_space<vmem>>[vector<16xi32>], vector<16xi32>,
        %shift_left3A_132 = arith.constant 16 : i32
        %shift_left3A_133 = vector.broadcast %shift_left3A_132 : i32 to vector<16xi32>
        %shift_left3A_134 = arith.shli %gather3A_131, %shift_left3A_133 : vector<16xi32>
        %bitcast3A_135 = vector.bitcast %shift_left3A_134 : vector<16xi32> to vector<16xf32>
        %add3A_136 = arith.addf %add3A_112, %bitcast3A_135 : vector<16xf32>
        %mul3A_137 = arith.constant 16 : i32
        %mul3A_138 = arith.muli %add3A_88, %mul3A_137 : i32
        %get3A_139 = arith.constant 4 : i32
        %get3A_140 = arith.index_cast %get3A_139 : i32 to index
        %get3A_141 = arith.index_cast %mul3A_138 : i32 to index
        %get3A_142 = tpu.vector_load %arg8[%get3A_140, %get3A_141] {strides = array<i32>} : memref<8x512xi32, #tpu.memory_space<vmem>>, vector<16xi32>,
        %gather3A_143 = tpu.vector_load_idx %arg6[%get3A_142] : memref<100000xi32, #tpu.memory_space<vmem>>[vector<16xi32>], vector<16xi32>,
        %shift_left3A_144 = arith.constant 16 : i32
        %shift_left3A_145 = vector.broadcast %shift_left3A_144 : i32 to vector<16xi32>
        %shift_left3A_146 = arith.shli %gather3A_143, %shift_left3A_145 : vector<16xi32>
        %bitcast3A_147 = vector.bitcast %shift_left3A_146 : vector<16xi32> to vector<16xf32>
        %add3A_148 = arith.addf %add3A_124, %bitcast3A_147 : vector<16xf32>
        %mul3A_149 = arith.constant 16 : i32
        %mul3A_150 = arith.muli %add3A_88, %mul3A_149 : i32
        %get3A_151 = arith.constant 5 : i32
        %get3A_152 = arith.index_cast %get3A_151 : i32 to index
        %get3A_153 = arith.index_cast %mul3A_150 : i32 to index
        %get3A_154 = tpu.vector_load %arg8[%get3A_152, %get3A_153] {strides = array<i32>} : memref<8x512xi32, #tpu.memory_space<vmem>>, vector<16xi32>,
        %gather3A_155 = tpu.vector_load_idx %arg6[%get3A_154] : memref<100000xi32, #tpu.memory_space<vmem>>[vector<16xi32>], vector<16xi32>,
        %shift_left3A_156 = arith.constant 16 : i32
        %shift_left3A_157 = vector.broadcast %shift_left3A_156 : i32 to vector<16xi32>
        %shift_left3A_158 = arith.shli %gather3A_155, %shift_left3A_157 : vector<16xi32>
        %bitcast3A_159 = vector.bitcast %shift_left3A_158 : vector<16xi32> to vector<16xf32>
        %add3A_160 = arith.addf %add3A_136, %bitcast3A_159 : vector<16xf32>
        %mul3A_161 = arith.constant 16 : i32
        %mul3A_162 = arith.muli %add3A_88, %mul3A_161 : i32
        %get3A_163 = arith.constant 6 : i32
        %get3A_164 = arith.index_cast %get3A_163 : i32 to index
        %get3A_165 = arith.index_cast %mul3A_162 : i32 to index
        %get3A_166 = tpu.vector_load %arg8[%get3A_164, %get3A_165] {strides = array<i32>} : memref<8x512xi32, #tpu.memory_space<vmem>>, vector<16xi32>,
        %gather3A_167 = tpu.vector_load_idx %arg6[%get3A_166] : memref<100000xi32, #tpu.memory_space<vmem>>[vector<16xi32>], vector<16xi32>,
        %shift_left3A_168 = arith.constant 16 : i32
        %shift_left3A_169 = vector.broadcast %shift_left3A_168 : i32 to vector<16xi32>
        %shift_left3A_170 = arith.shli %gather3A_167, %shift_left3A_169 : vector<16xi32>
        %bitcast3A_171 = vector.bitcast %shift_left3A_170 : vector<16xi32> to vector<16xf32>
        %add3A_172 = arith.addf %add3A_148, %bitcast3A_171 : vector<16xf32>
        %mul3A_173 = arith.constant 16 : i32
        %mul3A_174 = arith.muli %add3A_88, %mul3A_173 : i32
        %get3A_175 = arith.constant 7 : i32
        %get3A_176 = arith.index_cast %get3A_175 : i32 to index
        %get3A_177 = arith.index_cast %mul3A_174 : i32 to index
        %get3A_178 = tpu.vector_load %arg8[%get3A_176, %get3A_177] {strides = array<i32>} : memref<8x512xi32, #tpu.memory_space<vmem>>, vector<16xi32>,
        %gather3A_179 = tpu.vector_load_idx %arg6[%get3A_178] : memref<100000xi32, #tpu.memory_space<vmem>>[vector<16xi32>], vector<16xi32>,
        %shift_left3A_180 = arith.constant 16 : i32
        %shift_left3A_181 = vector.broadcast %shift_left3A_180 : i32 to vector<16xi32>
        %shift_left3A_182 = arith.shli %gather3A_179, %shift_left3A_181 : vector<16xi32>
        %bitcast3A_183 = vector.bitcast %shift_left3A_182 : vector<16xi32> to vector<16xf32>
        %add3A_184 = arith.addf %add3A_160, %bitcast3A_183 : vector<16xf32>
        %mul3A_185 = arith.constant 16 : i32
        %mul3A_186 = arith.muli %add3A_88, %mul3A_185 : i32
        %get3A_187 = arith.index_cast %mul3A_186 : i32 to index
        %get3A_188 = tpu.vector_load %arg10[%get3A_187] {strides = array<i32>} : memref<512xf32, #tpu.memory_space<vmem>>, vector<16xf32>,
        %add3A_189 = arith.addf %add3A_172, %add3A_184 : vector<16xf32>
        %add3A_190 = arith.addf %get3A_188, %add3A_189 : vector<16xf32>
        %mul3A_191 = arith.constant 16 : i32
        %mul3A_192 = arith.muli %add3A_88, %mul3A_191 : i32
        %swap3A = arith.index_cast %mul3A_192 : i32 to index
        %swap3A_193 = tpu.vector_load %arg10[%swap3A] {strides = array<i32>} : memref<512xf32, #tpu.memory_space<vmem>>, vector<16xf32>,
        tpu.vector_store %arg10[%swap3A], %add3A_190 {strides = array<i32>} : memref<512xf32, #tpu.memory_space<vmem>>, vector<16xf32>,
        %mul3A_194 = arith.constant 2 : i32
        %mul3A_195 = arith.muli %mul3A_194, %scan3A_84 : i32
        %add3A_196 = arith.constant 1 : i32
        %add3A_197 = arith.addi %mul3A_195, %add3A_196 : i32
        %broadcast_in_dim3A_198 = arith.constant 0.000000e+00 : f32
        %broadcast_in_dim3A_199 = vector.broadcast %broadcast_in_dim3A_198 : f32 to vector<16xf32>
        %broadcast_in_dim3A_200 = arith.constant 0.000000e+00 : f32
        %broadcast_in_dim3A_201 = vector.broadcast %broadcast_in_dim3A_200 : f32 to vector<16xf32>
        %mul3A_202 = arith.constant 16 : i32
        %mul3A_203 = arith.muli %add3A_197, %mul3A_202 : i32
        %get3A_204 = arith.constant 0 : i32
        %get3A_205 = arith.index_cast %get3A_204 : i32 to index
        %get3A_206 = arith.index_cast %mul3A_203 : i32 to index
        %get3A_207 = tpu.vector_load %arg8[%get3A_205, %get3A_206] {strides = array<i32>} : memref<8x512xi32, #tpu.memory_space<vmem>>, vector<16xi32>,
        %gather3A_208 = tpu.vector_load_idx %arg6[%get3A_207] : memref<100000xi32, #tpu.memory_space<vmem>>[vector<16xi32>], vector<16xi32>,
        %shift_left3A_209 = arith.constant 16 : i32
        %shift_left3A_210 = vector.broadcast %shift_left3A_209 : i32 to vector<16xi32>
        %shift_left3A_211 = arith.shli %gather3A_208, %shift_left3A_210 : vector<16xi32>
        %bitcast3A_212 = vector.bitcast %shift_left3A_211 : vector<16xi32> to vector<16xf32>
        %add3A_213 = arith.addf %broadcast_in_dim3A_199, %bitcast3A_212 : vector<16xf32>
        %mul3A_214 = arith.constant 16 : i32
        %mul3A_215 = arith.muli %add3A_197, %mul3A_214 : i32
        %get3A_216 = arith.constant 1 : i32
        %get3A_217 = arith.index_cast %get3A_216 : i32 to index
        %get3A_218 = arith.index_cast %mul3A_215 : i32 to index
        %get3A_219 = tpu.vector_load %arg8[%get3A_217, %get3A_218] {strides = array<i32>} : memref<8x512xi32, #tpu.memory_space<vmem>>, vector<16xi32>,
        %gather3A_220 = tpu.vector_load_idx %arg6[%get3A_219] : memref<100000xi32, #tpu.memory_space<vmem>>[vector<16xi32>], vector<16xi32>,
        %shift_left3A_221 = arith.constant 16 : i32
        %shift_left3A_222 = vector.broadcast %shift_left3A_221 : i32 to vector<16xi32>
        %shift_left3A_223 = arith.shli %gather3A_220, %shift_left3A_222 : vector<16xi32>
        %bitcast3A_224 = vector.bitcast %shift_left3A_223 : vector<16xi32> to vector<16xf32>
        %add3A_225 = arith.addf %broadcast_in_dim3A_201, %bitcast3A_224 : vector<16xf32>
        %mul3A_226 = arith.constant 16 : i32
        %mul3A_227 = arith.muli %add3A_197, %mul3A_226 : i32
        %get3A_228 = arith.constant 2 : i32
        %get3A_229 = arith.index_cast %get3A_228 : i32 to index
        %get3A_230 = arith.index_cast %mul3A_227 : i32 to index
        %get3A_231 = tpu.vector_load %arg8[%get3A_229, %get3A_230] {strides = array<i32>} : memref<8x512xi32, #tpu.memory_space<vmem>>, vector<16xi32>,
        %gather3A_232 = tpu.vector_load_idx %arg6[%get3A_231] : memref<100000xi32, #tpu.memory_space<vmem>>[vector<16xi32>], vector<16xi32>,
        %shift_left3A_233 = arith.constant 16 : i32
        %shift_left3A_234 = vector.broadcast %shift_left3A_233 : i32 to vector<16xi32>
        %shift_left3A_235 = arith.shli %gather3A_232, %shift_left3A_234 : vector<16xi32>
        %bitcast3A_236 = vector.bitcast %shift_left3A_235 : vector<16xi32> to vector<16xf32>
        %add3A_237 = arith.addf %add3A_213, %bitcast3A_236 : vector<16xf32>
        %mul3A_238 = arith.constant 16 : i32
        %mul3A_239 = arith.muli %add3A_197, %mul3A_238 : i32
        %get3A_240 = arith.constant 3 : i32
        %get3A_241 = arith.index_cast %get3A_240 : i32 to index
        %get3A_242 = arith.index_cast %mul3A_239 : i32 to index
        %get3A_243 = tpu.vector_load %arg8[%get3A_241, %get3A_242] {strides = array<i32>} : memref<8x512xi32, #tpu.memory_space<vmem>>, vector<16xi32>,
        %gather3A_244 = tpu.vector_load_idx %arg6[%get3A_243] : memref<100000xi32, #tpu.memory_space<vmem>>[vector<16xi32>], vector<16xi32>,
        %shift_left3A_245 = arith.constant 16 : i32
        %shift_left3A_246 = vector.broadcast %shift_left3A_245 : i32 to vector<16xi32>
        %shift_left3A_247 = arith.shli %gather3A_244, %shift_left3A_246 : vector<16xi32>
        %bitcast3A_248 = vector.bitcast %shift_left3A_247 : vector<16xi32> to vector<16xf32>
        %add3A_249 = arith.addf %add3A_225, %bitcast3A_248 : vector<16xf32>
        %mul3A_250 = arith.constant 16 : i32
        %mul3A_251 = arith.muli %add3A_197, %mul3A_250 : i32
        %get3A_252 = arith.constant 4 : i32
        %get3A_253 = arith.index_cast %get3A_252 : i32 to index
        %get3A_254 = arith.index_cast %mul3A_251 : i32 to index
        %get3A_255 = tpu.vector_load %arg8[%get3A_253, %get3A_254] {strides = array<i32>} : memref<8x512xi32, #tpu.memory_space<vmem>>, vector<16xi32>,
        %gather3A_256 = tpu.vector_load_idx %arg6[%get3A_255] : memref<100000xi32, #tpu.memory_space<vmem>>[vector<16xi32>], vector<16xi32>,
        %shift_left3A_257 = arith.constant 16 : i32
        %shift_left3A_258 = vector.broadcast %shift_left3A_257 : i32 to vector<16xi32>
        %shift_left3A_259 = arith.shli %gather3A_256, %shift_left3A_258 : vector<16xi32>
        %bitcast3A_260 = vector.bitcast %shift_left3A_259 : vector<16xi32> to vector<16xf32>
        %add3A_261 = arith.addf %add3A_237, %bitcast3A_260 : vector<16xf32>
        %mul3A_262 = arith.constant 16 : i32
        %mul3A_263 = arith.muli %add3A_197, %mul3A_262 : i32
        %get3A_264 = arith.constant 5 : i32
        %get3A_265 = arith.index_cast %get3A_264 : i32 to index
        %get3A_266 = arith.index_cast %mul3A_263 : i32 to index
        %get3A_267 = tpu.vector_load %arg8[%get3A_265, %get3A_266] {strides = array<i32>} : memref<8x512xi32, #tpu.memory_space<vmem>>, vector<16xi32>,
        %gather3A_268 = tpu.vector_load_idx %arg6[%get3A_267] : memref<100000xi32, #tpu.memory_space<vmem>>[vector<16xi32>], vector<16xi32>,
        %shift_left3A_269 = arith.constant 16 : i32
        %shift_left3A_270 = vector.broadcast %shift_left3A_269 : i32 to vector<16xi32>
        %shift_left3A_271 = arith.shli %gather3A_268, %shift_left3A_270 : vector<16xi32>
        %bitcast3A_272 = vector.bitcast %shift_left3A_271 : vector<16xi32> to vector<16xf32>
        %add3A_273 = arith.addf %add3A_249, %bitcast3A_272 : vector<16xf32>
        %mul3A_274 = arith.constant 16 : i32
        %mul3A_275 = arith.muli %add3A_197, %mul3A_274 : i32
        %get3A_276 = arith.constant 6 : i32
        %get3A_277 = arith.index_cast %get3A_276 : i32 to index
        %get3A_278 = arith.index_cast %mul3A_275 : i32 to index
        %get3A_279 = tpu.vector_load %arg8[%get3A_277, %get3A_278] {strides = array<i32>} : memref<8x512xi32, #tpu.memory_space<vmem>>, vector<16xi32>,
        %gather3A_280 = tpu.vector_load_idx %arg6[%get3A_279] : memref<100000xi32, #tpu.memory_space<vmem>>[vector<16xi32>], vector<16xi32>,
        %shift_left3A_281 = arith.constant 16 : i32
        %shift_left3A_282 = vector.broadcast %shift_left3A_281 : i32 to vector<16xi32>
        %shift_left3A_283 = arith.shli %gather3A_280, %shift_left3A_282 : vector<16xi32>
        %bitcast3A_284 = vector.bitcast %shift_left3A_283 : vector<16xi32> to vector<16xf32>
        %add3A_285 = arith.addf %add3A_261, %bitcast3A_284 : vector<16xf32>
        %mul3A_286 = arith.constant 16 : i32
        %mul3A_287 = arith.muli %add3A_197, %mul3A_286 : i32
        %get3A_288 = arith.constant 7 : i32
        %get3A_289 = arith.index_cast %get3A_288 : i32 to index
        %get3A_290 = arith.index_cast %mul3A_287 : i32 to index
        %get3A_291 = tpu.vector_load %arg8[%get3A_289, %get3A_290] {strides = array<i32>} : memref<8x512xi32, #tpu.memory_space<vmem>>, vector<16xi32>,
        %gather3A_292 = tpu.vector_load_idx %arg6[%get3A_291] : memref<100000xi32, #tpu.memory_space<vmem>>[vector<16xi32>], vector<16xi32>,
        %shift_left3A_293 = arith.constant 16 : i32
        %shift_left3A_294 = vector.broadcast %shift_left3A_293 : i32 to vector<16xi32>
        %shift_left3A_295 = arith.shli %gather3A_292, %shift_left3A_294 : vector<16xi32>
        %bitcast3A_296 = vector.bitcast %shift_left3A_295 : vector<16xi32> to vector<16xf32>
        %add3A_297 = arith.addf %add3A_273, %bitcast3A_296 : vector<16xf32>
        %mul3A_298 = arith.constant 16 : i32
        %mul3A_299 = arith.muli %add3A_197, %mul3A_298 : i32
        %get3A_300 = arith.index_cast %mul3A_299 : i32 to index
        %get3A_301 = tpu.vector_load %arg10[%get3A_300] {strides = array<i32>} : memref<512xf32, #tpu.memory_space<vmem>>, vector<16xf32>,
        %add3A_302 = arith.addf %add3A_285, %add3A_297 : vector<16xf32>
        %add3A_303 = arith.addf %get3A_301, %add3A_302 : vector<16xf32>
        %mul3A_304 = arith.constant 16 : i32
        %mul3A_305 = arith.muli %add3A_197, %mul3A_304 : i32
        %swap3A_306 = arith.index_cast %mul3A_305 : i32 to index
        %swap3A_307 = tpu.vector_load %arg10[%swap3A_306] {strides = array<i32>} : memref<512xf32, #tpu.memory_space<vmem>>, vector<16xf32>,
        tpu.vector_store %arg10[%swap3A_306], %add3A_303 {strides = array<i32>} : memref<512xf32, #tpu.memory_space<vmem>>, vector<16xf32>,
      }
      %scan3A_65 = arith.constant 16 : i32
      %add3A_66 = arith.constant 2 : i32
      %add3A_67 = arith.addi %mul3A_55, %add3A_66 : i32
      %mul3A_68 = arith.constant 8 : i32
      %mul3A_69 = arith.muli %add3A_67, %mul3A_68 : i32
      %dma_start3A_70 = tpu.memref_slice %arg4[%mul3A_69, %mul3A_2] : memref<200x16384xi32, #tpu.memory_space<hbm>> -> memref<8x512xi32, #tpu.memory_space<hbm>>
      %dma_start3A_71 = tpu.memref_slice %arg4[%mul3A_69, %mul3A_2] : memref<200x16384xi32, #tpu.memory_space<hbm>> -> memref<8x512xi32, #tpu.memory_space<hbm>>
      tpu.enqueue_dma source(%dma_start3A_71 : memref<8x512xi32, #tpu.memory_space<hbm>>) target(%arg8 : memref<8x512xi32, #tpu.memory_space<vmem>>) target_semaphore(%arg12 : memref<!tpu.dma_semaphore, #tpu.memory_space<semaphore_mem>>)
      %dma_wait3A_72 = arith.constant 0 : i32
      %dma_wait3A_73 = tpu.memref_slice %arg4[%dma_wait3A_72, %mul3A_2] : memref<200x16384xi32, #tpu.memory_space<hbm>> -> memref<8x512xi32, #tpu.memory_space<hbm>>
      %dma_wait3A_74 = arith.constant 0 : i32
      %dma_wait3A_75 = tpu.memref_slice %arg4[%dma_wait3A_74, %mul3A_2] : memref<200x16384xi32, #tpu.memory_space<hbm>> -> memref<8x512xi32, #tpu.memory_space<hbm>>
      tpu.wait_dma2 semaphore(%arg13 : memref<!tpu.dma_semaphore, #tpu.memory_space<semaphore_mem>>) src(%dma_wait3A_75 : memref<8x512xi32, #tpu.memory_space<hbm>>) dst(%arg9 : memref<8x512xi32, #tpu.memory_space<vmem>>)
      %scan3A_76 = arith.constant 0 : i32
      %scan3A_77 = arith.constant 0 : i32
      %scan3A_78 = arith.constant 16 : i32
      %scan3A_79 = arith.addi %scan3A_77, %scan3A_78 : i32
      %scan3A_80 = arith.constant 1 : i32
      scf.for %scan3A_84 = %scan3A_77 to %scan3A_79 step %scan3A_80  : i32 {
        %mul3A_85 = arith.constant 2 : i32
        %mul3A_86 = arith.muli %mul3A_85, %scan3A_84 : i32
        %add3A_87 = arith.constant 0 : i32
        %add3A_88 = arith.addi %mul3A_86, %add3A_87 : i32
        %broadcast_in_dim3A_89 = arith.constant 0.000000e+00 : f32
        %broadcast_in_dim3A_90 = vector.broadcast %broadcast_in_dim3A_89 : f32 to vector<16xf32>
        %broadcast_in_dim3A_91 = arith.constant 0.000000e+00 : f32
        %broadcast_in_dim3A_92 = vector.broadcast %broadcast_in_dim3A_91 : f32 to vector<16xf32>
        %mul3A_93 = arith.constant 16 : i32
        %mul3A_94 = arith.muli %add3A_88, %mul3A_93 : i32
        %get3A = arith.constant 0 : i32
        %get3A_95 = arith.index_cast %get3A : i32 to index
        %get3A_96 = arith.index_cast %mul3A_94 : i32 to index
        %get3A_97 = tpu.vector_load %arg9[%get3A_95, %get3A_96] {strides = array<i32>} : memref<8x512xi32, #tpu.memory_space<vmem>>, vector<16xi32>,
        %gather3A = tpu.vector_load_idx %arg6[%get3A_97] : memref<100000xi32, #tpu.memory_space<vmem>>[vector<16xi32>], vector<16xi32>,
        %shift_left3A = arith.constant 16 : i32
        %shift_left3A_98 = vector.broadcast %shift_left3A : i32 to vector<16xi32>
        %shift_left3A_99 = arith.shli %gather3A, %shift_left3A_98 : vector<16xi32>
        %bitcast3A = vector.bitcast %shift_left3A_99 : vector<16xi32> to vector<16xf32>
        %add3A_100 = arith.addf %broadcast_in_dim3A_90, %bitcast3A : vector<16xf32>
        %mul3A_101 = arith.constant 16 : i32
        %mul3A_102 = arith.muli %add3A_88, %mul3A_101 : i32
        %get3A_103 = arith.constant 1 : i32
        %get3A_104 = arith.index_cast %get3A_103 : i32 to index
        %get3A_105 = arith.index_cast %mul3A_102 : i32 to index
        %get3A_106 = tpu.vector_load %arg9[%get3A_104, %get3A_105] {strides = array<i32>} : memref<8x512xi32, #tpu.memory_space<vmem>>, vector<16xi32>,
        %gather3A_107 = tpu.vector_load_idx %arg6[%get3A_106] : memref<100000xi32, #tpu.memory_space<vmem>>[vector<16xi32>], vector<16xi32>,
        %shift_left3A_108 = arith.constant 16 : i32
        %shift_left3A_109 = vector.broadcast %shift_left3A_108 : i32 to vector<16xi32>
        %shift_left3A_110 = arith.shli %gather3A_107, %shift_left3A_109 : vector<16xi32>
        %bitcast3A_111 = vector.bitcast %shift_left3A_110 : vector<16xi32> to vector<16xf32>
        %add3A_112 = arith.addf %broadcast_in_dim3A_92, %bitcast3A_111 : vector<16xf32>
        %mul3A_113 = arith.constant 16 : i32
        %mul3A_114 = arith.muli %add3A_88, %mul3A_113 : i32
        %get3A_115 = arith.constant 2 : i32
        %get3A_116 = arith.index_cast %get3A_115 : i32 to index
        %get3A_117 = arith.index_cast %mul3A_114 : i32 to index
        %get3A_118 = tpu.vector_load %arg9[%get3A_116, %get3A_117] {strides = array<i32>} : memref<8x512xi32, #tpu.memory_space<vmem>>, vector<16xi32>,
        %gather3A_119 = tpu.vector_load_idx %arg6[%get3A_118] : memref<100000xi32, #tpu.memory_space<vmem>>[vector<16xi32>], vector<16xi32>,
        %shift_left3A_120 = arith.constant 16 : i32
        %shift_left3A_121 = vector.broadcast %shift_left3A_120 : i32 to vector<16xi32>
        %shift_left3A_122 = arith.shli %gather3A_119, %shift_left3A_121 : vector<16xi32>
        %bitcast3A_123 = vector.bitcast %shift_left3A_122 : vector<16xi32> to vector<16xf32>
        %add3A_124 = arith.addf %add3A_100, %bitcast3A_123 : vector<16xf32>
        %mul3A_125 = arith.constant 16 : i32
        %mul3A_126 = arith.muli %add3A_88, %mul3A_125 : i32
        %get3A_127 = arith.constant 3 : i32
        %get3A_128 = arith.index_cast %get3A_127 : i32 to index
        %get3A_129 = arith.index_cast %mul3A_126 : i32 to index
        %get3A_130 = tpu.vector_load %arg9[%get3A_128, %get3A_129] {strides = array<i32>} : memref<8x512xi32, #tpu.memory_space<vmem>>, vector<16xi32>,
        %gather3A_131 = tpu.vector_load_idx %arg6[%get3A_130] : memref<100000xi32, #tpu.memory_space<vmem>>[vector<16xi32>], vector<16xi32>,
        %shift_left3A_132 = arith.constant 16 : i32
        %shift_left3A_133 = vector.broadcast %shift_left3A_132 : i32 to vector<16xi32>
        %shift_left3A_134 = arith.shli %gather3A_131, %shift_left3A_133 : vector<16xi32>
        %bitcast3A_135 = vector.bitcast %shift_left3A_134 : vector<16xi32> to vector<16xf32>
        %add3A_136 = arith.addf %add3A_112, %bitcast3A_135 : vector<16xf32>
        %mul3A_137 = arith.constant 16 : i32
        %mul3A_138 = arith.muli %add3A_88, %mul3A_137 : i32
        %get3A_139 = arith.constant 4 : i32
        %get3A_140 = arith.index_cast %get3A_139 : i32 to index
        %get3A_141 = arith.index_cast %mul3A_138 : i32 to index
        %get3A_142 = tpu.vector_load %arg9[%get3A_140, %get3A_141] {strides = array<i32>} : memref<8x512xi32, #tpu.memory_space<vmem>>, vector<16xi32>,
        %gather3A_143 = tpu.vector_load_idx %arg6[%get3A_142] : memref<100000xi32, #tpu.memory_space<vmem>>[vector<16xi32>], vector<16xi32>,
        %shift_left3A_144 = arith.constant 16 : i32
        %shift_left3A_145 = vector.broadcast %shift_left3A_144 : i32 to vector<16xi32>
        %shift_left3A_146 = arith.shli %gather3A_143, %shift_left3A_145 : vector<16xi32>
        %bitcast3A_147 = vector.bitcast %shift_left3A_146 : vector<16xi32> to vector<16xf32>
        %add3A_148 = arith.addf %add3A_124, %bitcast3A_147 : vector<16xf32>
        %mul3A_149 = arith.constant 16 : i32
        %mul3A_150 = arith.muli %add3A_88, %mul3A_149 : i32
        %get3A_151 = arith.constant 5 : i32
        %get3A_152 = arith.index_cast %get3A_151 : i32 to index
        %get3A_153 = arith.index_cast %mul3A_150 : i32 to index
        %get3A_154 = tpu.vector_load %arg9[%get3A_152, %get3A_153] {strides = array<i32>} : memref<8x512xi32, #tpu.memory_space<vmem>>, vector<16xi32>,
        %gather3A_155 = tpu.vector_load_idx %arg6[%get3A_154] : memref<100000xi32, #tpu.memory_space<vmem>>[vector<16xi32>], vector<16xi32>,
        %shift_left3A_156 = arith.constant 16 : i32
        %shift_left3A_157 = vector.broadcast %shift_left3A_156 : i32 to vector<16xi32>
        %shift_left3A_158 = arith.shli %gather3A_155, %shift_left3A_157 : vector<16xi32>
        %bitcast3A_159 = vector.bitcast %shift_left3A_158 : vector<16xi32> to vector<16xf32>
        %add3A_160 = arith.addf %add3A_136, %bitcast3A_159 : vector<16xf32>
        %mul3A_161 = arith.constant 16 : i32
        %mul3A_162 = arith.muli %add3A_88, %mul3A_161 : i32
        %get3A_163 = arith.constant 6 : i32
        %get3A_164 = arith.index_cast %get3A_163 : i32 to index
        %get3A_165 = arith.index_cast %mul3A_162 : i32 to index
        %get3A_166 = tpu.vector_load %arg9[%get3A_164, %get3A_165] {strides = array<i32>} : memref<8x512xi32, #tpu.memory_space<vmem>>, vector<16xi32>,
        %gather3A_167 = tpu.vector_load_idx %arg6[%get3A_166] : memref<100000xi32, #tpu.memory_space<vmem>>[vector<16xi32>], vector<16xi32>,
        %shift_left3A_168 = arith.constant 16 : i32
        %shift_left3A_169 = vector.broadcast %shift_left3A_168 : i32 to vector<16xi32>
        %shift_left3A_170 = arith.shli %gather3A_167, %shift_left3A_169 : vector<16xi32>
        %bitcast3A_171 = vector.bitcast %shift_left3A_170 : vector<16xi32> to vector<16xf32>
        %add3A_172 = arith.addf %add3A_148, %bitcast3A_171 : vector<16xf32>
        %mul3A_173 = arith.constant 16 : i32
        %mul3A_174 = arith.muli %add3A_88, %mul3A_173 : i32
        %get3A_175 = arith.constant 7 : i32
        %get3A_176 = arith.index_cast %get3A_175 : i32 to index
        %get3A_177 = arith.index_cast %mul3A_174 : i32 to index
        %get3A_178 = tpu.vector_load %arg9[%get3A_176, %get3A_177] {strides = array<i32>} : memref<8x512xi32, #tpu.memory_space<vmem>>, vector<16xi32>,
        %gather3A_179 = tpu.vector_load_idx %arg6[%get3A_178] : memref<100000xi32, #tpu.memory_space<vmem>>[vector<16xi32>], vector<16xi32>,
        %shift_left3A_180 = arith.constant 16 : i32
        %shift_left3A_181 = vector.broadcast %shift_left3A_180 : i32 to vector<16xi32>
        %shift_left3A_182 = arith.shli %gather3A_179, %shift_left3A_181 : vector<16xi32>
        %bitcast3A_183 = vector.bitcast %shift_left3A_182 : vector<16xi32> to vector<16xf32>
        %add3A_184 = arith.addf %add3A_160, %bitcast3A_183 : vector<16xf32>
        %mul3A_185 = arith.constant 16 : i32
        %mul3A_186 = arith.muli %add3A_88, %mul3A_185 : i32
        %get3A_187 = arith.index_cast %mul3A_186 : i32 to index
        %get3A_188 = tpu.vector_load %arg10[%get3A_187] {strides = array<i32>} : memref<512xf32, #tpu.memory_space<vmem>>, vector<16xf32>,
        %add3A_189 = arith.addf %add3A_172, %add3A_184 : vector<16xf32>
        %add3A_190 = arith.addf %get3A_188, %add3A_189 : vector<16xf32>
        %mul3A_191 = arith.constant 16 : i32
        %mul3A_192 = arith.muli %add3A_88, %mul3A_191 : i32
        %swap3A = arith.index_cast %mul3A_192 : i32 to index
        %swap3A_193 = tpu.vector_load %arg10[%swap3A] {strides = array<i32>} : memref<512xf32, #tpu.memory_space<vmem>>, vector<16xf32>,
        tpu.vector_store %arg10[%swap3A], %add3A_190 {strides = array<i32>} : memref<512xf32, #tpu.memory_space<vmem>>, vector<16xf32>,
        %mul3A_194 = arith.constant 2 : i32
        %mul3A_195 = arith.muli %mul3A_194, %scan3A_84 : i32
        %add3A_196 = arith.constant 1 : i32
        %add3A_197 = arith.addi %mul3A_195, %add3A_196 : i32
        %broadcast_in_dim3A_198 = arith.constant 0.000000e+00 : f32
        %broadcast_in_dim3A_199 = vector.broadcast %broadcast_in_dim3A_198 : f32 to vector<16xf32>
        %broadcast_in_dim3A_200 = arith.constant 0.000000e+00 : f32
        %broadcast_in_dim3A_201 = vector.broadcast %broadcast_in_dim3A_200 : f32 to vector<16xf32>
        %mul3A_202 = arith.constant 16 : i32
        %mul3A_203 = arith.muli %add3A_197, %mul3A_202 : i32
        %get3A_204 = arith.constant 0 : i32
        %get3A_205 = arith.index_cast %get3A_204 : i32 to index
        %get3A_206 = arith.index_cast %mul3A_203 : i32 to index
        %get3A_207 = tpu.vector_load %arg9[%get3A_205, %get3A_206] {strides = array<i32>} : memref<8x512xi32, #tpu.memory_space<vmem>>, vector<16xi32>,
        %gather3A_208 = tpu.vector_load_idx %arg6[%get3A_207] : memref<100000xi32, #tpu.memory_space<vmem>>[vector<16xi32>], vector<16xi32>,
        %shift_left3A_209 = arith.constant 16 : i32
        %shift_left3A_210 = vector.broadcast %shift_left3A_209 : i32 to vector<16xi32>
        %shift_left3A_211 = arith.shli %gather3A_208, %shift_left3A_210 : vector<16xi32>
        %bitcast3A_212 = vector.bitcast %shift_left3A_211 : vector<16xi32> to vector<16xf32>
        %add3A_213 = arith.addf %broadcast_in_dim3A_199, %bitcast3A_212 : vector<16xf32>
        %mul3A_214 = arith.constant 16 : i32
        %mul3A_215 = arith.muli %add3A_197, %mul3A_214 : i32
        %get3A_216 = arith.constant 1 : i32
        %get3A_217 = arith.index_cast %get3A_216 : i32 to index
        %get3A_218 = arith.index_cast %mul3A_215 : i32 to index
        %get3A_219 = tpu.vector_load %arg9[%get3A_217, %get3A_218] {strides = array<i32>} : memref<8x512xi32, #tpu.memory_space<vmem>>, vector<16xi32>,
        %gather3A_220 = tpu.vector_load_idx %arg6[%get3A_219] : memref<100000xi32, #tpu.memory_space<vmem>>[vector<16xi32>], vector<16xi32>,
        %shift_left3A_221 = arith.constant 16 : i32
        %shift_left3A_222 = vector.broadcast %shift_left3A_221 : i32 to vector<16xi32>
        %shift_left3A_223 = arith.shli %gather3A_220, %shift_left3A_222 : vector<16xi32>
        %bitcast3A_224 = vector.bitcast %shift_left3A_223 : vector<16xi32> to vector<16xf32>
        %add3A_225 = arith.addf %broadcast_in_dim3A_201, %bitcast3A_224 : vector<16xf32>
        %mul3A_226 = arith.constant 16 : i32
        %mul3A_227 = arith.muli %add3A_197, %mul3A_226 : i32
        %get3A_228 = arith.constant 2 : i32
        %get3A_229 = arith.index_cast %get3A_228 : i32 to index
        %get3A_230 = arith.index_cast %mul3A_227 : i32 to index
        %get3A_231 = tpu.vector_load %arg9[%get3A_229, %get3A_230] {strides = array<i32>} : memref<8x512xi32, #tpu.memory_space<vmem>>, vector<16xi32>,
        %gather3A_232 = tpu.vector_load_idx %arg6[%get3A_231] : memref<100000xi32, #tpu.memory_space<vmem>>[vector<16xi32>], vector<16xi32>,
        %shift_left3A_233 = arith.constant 16 : i32
        %shift_left3A_234 = vector.broadcast %shift_left3A_233 : i32 to vector<16xi32>
        %shift_left3A_235 = arith.shli %gather3A_232, %shift_left3A_234 : vector<16xi32>
        %bitcast3A_236 = vector.bitcast %shift_left3A_235 : vector<16xi32> to vector<16xf32>
        %add3A_237 = arith.addf %add3A_213, %bitcast3A_236 : vector<16xf32>
        %mul3A_238 = arith.constant 16 : i32
        %mul3A_239 = arith.muli %add3A_197, %mul3A_238 : i32
        %get3A_240 = arith.constant 3 : i32
        %get3A_241 = arith.index_cast %get3A_240 : i32 to index
        %get3A_242 = arith.index_cast %mul3A_239 : i32 to index
        %get3A_243 = tpu.vector_load %arg9[%get3A_241, %get3A_242] {strides = array<i32>} : memref<8x512xi32, #tpu.memory_space<vmem>>, vector<16xi32>,
        %gather3A_244 = tpu.vector_load_idx %arg6[%get3A_243] : memref<100000xi32, #tpu.memory_space<vmem>>[vector<16xi32>], vector<16xi32>,
        %shift_left3A_245 = arith.constant 16 : i32
        %shift_left3A_246 = vector.broadcast %shift_left3A_245 : i32 to vector<16xi32>
        %shift_left3A_247 = arith.shli %gather3A_244, %shift_left3A_246 : vector<16xi32>
        %bitcast3A_248 = vector.bitcast %shift_left3A_247 : vector<16xi32> to vector<16xf32>
        %add3A_249 = arith.addf %add3A_225, %bitcast3A_248 : vector<16xf32>
        %mul3A_250 = arith.constant 16 : i32
        %mul3A_251 = arith.muli %add3A_197, %mul3A_250 : i32
        %get3A_252 = arith.constant 4 : i32
        %get3A_253 = arith.index_cast %get3A_252 : i32 to index
        %get3A_254 = arith.index_cast %mul3A_251 : i32 to index
        %get3A_255 = tpu.vector_load %arg9[%get3A_253, %get3A_254] {strides = array<i32>} : memref<8x512xi32, #tpu.memory_space<vmem>>, vector<16xi32>,
        %gather3A_256 = tpu.vector_load_idx %arg6[%get3A_255] : memref<100000xi32, #tpu.memory_space<vmem>>[vector<16xi32>], vector<16xi32>,
        %shift_left3A_257 = arith.constant 16 : i32
        %shift_left3A_258 = vector.broadcast %shift_left3A_257 : i32 to vector<16xi32>
        %shift_left3A_259 = arith.shli %gather3A_256, %shift_left3A_258 : vector<16xi32>
        %bitcast3A_260 = vector.bitcast %shift_left3A_259 : vector<16xi32> to vector<16xf32>
        %add3A_261 = arith.addf %add3A_237, %bitcast3A_260 : vector<16xf32>
        %mul3A_262 = arith.constant 16 : i32
        %mul3A_263 = arith.muli %add3A_197, %mul3A_262 : i32
        %get3A_264 = arith.constant 5 : i32
        %get3A_265 = arith.index_cast %get3A_264 : i32 to index
        %get3A_266 = arith.index_cast %mul3A_263 : i32 to index
        %get3A_267 = tpu.vector_load %arg9[%get3A_265, %get3A_266] {strides = array<i32>} : memref<8x512xi32, #tpu.memory_space<vmem>>, vector<16xi32>,
        %gather3A_268 = tpu.vector_load_idx %arg6[%get3A_267] : memref<100000xi32, #tpu.memory_space<vmem>>[vector<16xi32>], vector<16xi32>,
        %shift_left3A_269 = arith.constant 16 : i32
        %shift_left3A_270 = vector.broadcast %shift_left3A_269 : i32 to vector<16xi32>
        %shift_left3A_271 = arith.shli %gather3A_268, %shift_left3A_270 : vector<16xi32>
        %bitcast3A_272 = vector.bitcast %shift_left3A_271 : vector<16xi32> to vector<16xf32>
        %add3A_273 = arith.addf %add3A_249, %bitcast3A_272 : vector<16xf32>
        %mul3A_274 = arith.constant 16 : i32
        %mul3A_275 = arith.muli %add3A_197, %mul3A_274 : i32
        %get3A_276 = arith.constant 6 : i32
        %get3A_277 = arith.index_cast %get3A_276 : i32 to index
        %get3A_278 = arith.index_cast %mul3A_275 : i32 to index
        %get3A_279 = tpu.vector_load %arg9[%get3A_277, %get3A_278] {strides = array<i32>} : memref<8x512xi32, #tpu.memory_space<vmem>>, vector<16xi32>,
        %gather3A_280 = tpu.vector_load_idx %arg6[%get3A_279] : memref<100000xi32, #tpu.memory_space<vmem>>[vector<16xi32>], vector<16xi32>,
        %shift_left3A_281 = arith.constant 16 : i32
        %shift_left3A_282 = vector.broadcast %shift_left3A_281 : i32 to vector<16xi32>
        %shift_left3A_283 = arith.shli %gather3A_280, %shift_left3A_282 : vector<16xi32>
        %bitcast3A_284 = vector.bitcast %shift_left3A_283 : vector<16xi32> to vector<16xf32>
        %add3A_285 = arith.addf %add3A_261, %bitcast3A_284 : vector<16xf32>
        %mul3A_286 = arith.constant 16 : i32
        %mul3A_287 = arith.muli %add3A_197, %mul3A_286 : i32
        %get3A_288 = arith.constant 7 : i32
        %get3A_289 = arith.index_cast %get3A_288 : i32 to index
        %get3A_290 = arith.index_cast %mul3A_287 : i32 to index
        %get3A_291 = tpu.vector_load %arg9[%get3A_289, %get3A_290] {strides = array<i32>} : memref<8x512xi32, #tpu.memory_space<vmem>>, vector<16xi32>,
        %gather3A_292 = tpu.vector_load_idx %arg6[%get3A_291] : memref<100000xi32, #tpu.memory_space<vmem>>[vector<16xi32>], vector<16xi32>,
        %shift_left3A_293 = arith.constant 16 : i32
        %shift_left3A_294 = vector.broadcast %shift_left3A_293 : i32 to vector<16xi32>
        %shift_left3A_295 = arith.shli %gather3A_292, %shift_left3A_294 : vector<16xi32>
        %bitcast3A_296 = vector.bitcast %shift_left3A_295 : vector<16xi32> to vector<16xf32>
        %add3A_297 = arith.addf %add3A_273, %bitcast3A_296 : vector<16xf32>
        %mul3A_298 = arith.constant 16 : i32
        %mul3A_299 = arith.muli %add3A_197, %mul3A_298 : i32
        %get3A_300 = arith.index_cast %mul3A_299 : i32 to index
        %get3A_301 = tpu.vector_load %arg10[%get3A_300] {strides = array<i32>} : memref<512xf32, #tpu.memory_space<vmem>>, vector<16xf32>,
        %add3A_302 = arith.addf %add3A_285, %add3A_297 : vector<16xf32>
        %add3A_303 = arith.addf %get3A_301, %add3A_302 : vector<16xf32>
        %mul3A_304 = arith.constant 16 : i32
        %mul3A_305 = arith.muli %add3A_197, %mul3A_304 : i32
        %swap3A_306 = arith.index_cast %mul3A_305 : i32 to index
        %swap3A_307 = tpu.vector_load %arg10[%swap3A_306] {strides = array<i32>} : memref<512xf32, #tpu.memory_space<vmem>>, vector<16xf32>,
        tpu.vector_store %arg10[%swap3A_306], %add3A_303 {strides = array<i32>} : memref<512xf32, #tpu.memory_space<vmem>>, vector<16xf32>,
      }
      %scan3A_81 = arith.constant 16 : i32
      %lt3A = arith.constant 11 : i32
      %lt3A_82 = arith.cmpi slt, %scan3A_53, %lt3A : i32
      %convert_element_type3A = arith.extui %lt3A_82 : i1 to i32
      %cond3A = arith.constant 0 : i32
      %cond3A_83 = arith.cmpi ne, %convert_element_type3A, %cond3A : i32
      scf.if %cond3A_83 {
        %add3A_84 = arith.constant 3 : i32
        %add3A_85 = arith.addi %mul3A_55, %add3A_84 : i32
        %mul3A_86 = arith.constant 8 : i32
        %mul3A_87 = arith.muli %add3A_85, %mul3A_86 : i32
        %dma_start3A_88 = tpu.memref_slice %arg4[%mul3A_87, %mul3A_2] : memref<200x16384xi32, #tpu.memory_space<hbm>> -> memref<8x512xi32, #tpu.memory_space<hbm>>
        %dma_start3A_89 = tpu.memref_slice %arg4[%mul3A_87, %mul3A_2] : memref<200x16384xi32, #tpu.memory_space<hbm>> -> memref<8x512xi32, #tpu.memory_space<hbm>>
        tpu.enqueue_dma source(%dma_start3A_89 : memref<8x512xi32, #tpu.memory_space<hbm>>) target(%arg9 : memref<8x512xi32, #tpu.memory_space<vmem>>) target_semaphore(%arg13 : memref<!tpu.dma_semaphore, #tpu.memory_space<semaphore_mem>>)
      } else {
      }
    }
    %scan3A_42 = arith.constant 12 : i32
    %dma_wait3A_43 = arith.constant 0 : i32
    %dma_wait3A_44 = tpu.memref_slice %arg4[%dma_wait3A_43, %mul3A_2] : memref<200x16384xi32, #tpu.memory_space<hbm>> -> memref<8x512xi32, #tpu.memory_space<hbm>>
    %dma_wait3A_45 = arith.constant 0 : i32
    %dma_wait3A_46 = tpu.memref_slice %arg4[%dma_wait3A_45, %mul3A_2] : memref<200x16384xi32, #tpu.memory_space<hbm>> -> memref<8x512xi32, #tpu.memory_space<hbm>>
    tpu.wait_dma2 semaphore(%arg12 : memref<!tpu.dma_semaphore, #tpu.memory_space<semaphore_mem>>) src(%dma_wait3A_46 : memref<8x512xi32, #tpu.memory_space<hbm>>) dst(%arg8 : memref<8x512xi32, #tpu.memory_space<vmem>>)
    %scan3A_47 = arith.constant 0 : i32
    %scan3A_48 = arith.constant 0 : i32
    %scan3A_49 = arith.constant 16 : i32
    %scan3A_50 = arith.addi %scan3A_48, %scan3A_49 : i32
    %scan3A_51 = arith.constant 1 : i32
    scf.for %scan3A_53 = %scan3A_48 to %scan3A_50 step %scan3A_51  : i32 {
      %mul3A_54 = arith.constant 2 : i32
      %mul3A_55 = arith.muli %mul3A_54, %scan3A_53 : i32
      %add3A_56 = arith.constant 0 : i32
      %add3A_57 = arith.addi %mul3A_55, %add3A_56 : i32
      %broadcast_in_dim3A_58 = arith.constant 0.000000e+00 : f32
      %broadcast_in_dim3A_59 = vector.broadcast %broadcast_in_dim3A_58 : f32 to vector<16xf32>
      %broadcast_in_dim3A_60 = arith.constant 0.000000e+00 : f32
      %broadcast_in_dim3A_61 = vector.broadcast %broadcast_in_dim3A_60 : f32 to vector<16xf32>
      %mul3A_62 = arith.constant 16 : i32
      %mul3A_63 = arith.muli %add3A_57, %mul3A_62 : i32
      %get3A = arith.constant 0 : i32
      %get3A_64 = arith.index_cast %get3A : i32 to index
      %get3A_65 = arith.index_cast %mul3A_63 : i32 to index
      %get3A_66 = tpu.vector_load %arg8[%get3A_64, %get3A_65] {strides = array<i32>} : memref<8x512xi32, #tpu.memory_space<vmem>>, vector<16xi32>,
      %gather3A = tpu.vector_load_idx %arg6[%get3A_66] : memref<100000xi32, #tpu.memory_space<vmem>>[vector<16xi32>], vector<16xi32>,
      %shift_left3A = arith.constant 16 : i32
      %shift_left3A_67 = vector.broadcast %shift_left3A : i32 to vector<16xi32>
      %shift_left3A_68 = arith.shli %gather3A, %shift_left3A_67 : vector<16xi32>
      %bitcast3A = vector.bitcast %shift_left3A_68 : vector<16xi32> to vector<16xf32>
      %add3A_69 = arith.addf %broadcast_in_dim3A_59, %bitcast3A : vector<16xf32>
      %mul3A_70 = arith.constant 16 : i32
      %mul3A_71 = arith.muli %add3A_57, %mul3A_70 : i32
      %get3A_72 = arith.constant 1 : i32
      %get3A_73 = arith.index_cast %get3A_72 : i32 to index
      %get3A_74 = arith.index_cast %mul3A_71 : i32 to index
      %get3A_75 = tpu.vector_load %arg8[%get3A_73, %get3A_74] {strides = array<i32>} : memref<8x512xi32, #tpu.memory_space<vmem>>, vector<16xi32>,
      %gather3A_76 = tpu.vector_load_idx %arg6[%get3A_75] : memref<100000xi32, #tpu.memory_space<vmem>>[vector<16xi32>], vector<16xi32>,
      %shift_left3A_77 = arith.constant 16 : i32
      %shift_left3A_78 = vector.broadcast %shift_left3A_77 : i32 to vector<16xi32>
      %shift_left3A_79 = arith.shli %gather3A_76, %shift_left3A_78 : vector<16xi32>
      %bitcast3A_80 = vector.bitcast %shift_left3A_79 : vector<16xi32> to vector<16xf32>
      %add3A_81 = arith.addf %broadcast_in_dim3A_61, %bitcast3A_80 : vector<16xf32>
      %mul3A_82 = arith.constant 16 : i32
      %mul3A_83 = arith.muli %add3A_57, %mul3A_82 : i32
      %get3A_84 = arith.constant 2 : i32
      %get3A_85 = arith.index_cast %get3A_84 : i32 to index
      %get3A_86 = arith.index_cast %mul3A_83 : i32 to index
      %get3A_87 = tpu.vector_load %arg8[%get3A_85, %get3A_86] {strides = array<i32>} : memref<8x512xi32, #tpu.memory_space<vmem>>, vector<16xi32>,
      %gather3A_88 = tpu.vector_load_idx %arg6[%get3A_87] : memref<100000xi32, #tpu.memory_space<vmem>>[vector<16xi32>], vector<16xi32>,
      %shift_left3A_89 = arith.constant 16 : i32
      %shift_left3A_90 = vector.broadcast %shift_left3A_89 : i32 to vector<16xi32>
      %shift_left3A_91 = arith.shli %gather3A_88, %shift_left3A_90 : vector<16xi32>
      %bitcast3A_92 = vector.bitcast %shift_left3A_91 : vector<16xi32> to vector<16xf32>
      %add3A_93 = arith.addf %add3A_69, %bitcast3A_92 : vector<16xf32>
      %mul3A_94 = arith.constant 16 : i32
      %mul3A_95 = arith.muli %add3A_57, %mul3A_94 : i32
      %get3A_96 = arith.constant 3 : i32
      %get3A_97 = arith.index_cast %get3A_96 : i32 to index
      %get3A_98 = arith.index_cast %mul3A_95 : i32 to index
      %get3A_99 = tpu.vector_load %arg8[%get3A_97, %get3A_98] {strides = array<i32>} : memref<8x512xi32, #tpu.memory_space<vmem>>, vector<16xi32>,
      %gather3A_100 = tpu.vector_load_idx %arg6[%get3A_99] : memref<100000xi32, #tpu.memory_space<vmem>>[vector<16xi32>], vector<16xi32>,
      %shift_left3A_101 = arith.constant 16 : i32
      %shift_left3A_102 = vector.broadcast %shift_left3A_101 : i32 to vector<16xi32>
      %shift_left3A_103 = arith.shli %gather3A_100, %shift_left3A_102 : vector<16xi32>
      %bitcast3A_104 = vector.bitcast %shift_left3A_103 : vector<16xi32> to vector<16xf32>
      %add3A_105 = arith.addf %add3A_81, %bitcast3A_104 : vector<16xf32>
      %mul3A_106 = arith.constant 16 : i32
      %mul3A_107 = arith.muli %add3A_57, %mul3A_106 : i32
      %get3A_108 = arith.constant 4 : i32
      %get3A_109 = arith.index_cast %get3A_108 : i32 to index
      %get3A_110 = arith.index_cast %mul3A_107 : i32 to index
      %get3A_111 = tpu.vector_load %arg8[%get3A_109, %get3A_110] {strides = array<i32>} : memref<8x512xi32, #tpu.memory_space<vmem>>, vector<16xi32>,
      %gather3A_112 = tpu.vector_load_idx %arg6[%get3A_111] : memref<100000xi32, #tpu.memory_space<vmem>>[vector<16xi32>], vector<16xi32>,
      %shift_left3A_113 = arith.constant 16 : i32
      %shift_left3A_114 = vector.broadcast %shift_left3A_113 : i32 to vector<16xi32>
      %shift_left3A_115 = arith.shli %gather3A_112, %shift_left3A_114 : vector<16xi32>
      %bitcast3A_116 = vector.bitcast %shift_left3A_115 : vector<16xi32> to vector<16xf32>
      %add3A_117 = arith.addf %add3A_93, %bitcast3A_116 : vector<16xf32>
      %mul3A_118 = arith.constant 16 : i32
      %mul3A_119 = arith.muli %add3A_57, %mul3A_118 : i32
      %get3A_120 = arith.constant 5 : i32
      %get3A_121 = arith.index_cast %get3A_120 : i32 to index
      %get3A_122 = arith.index_cast %mul3A_119 : i32 to index
      %get3A_123 = tpu.vector_load %arg8[%get3A_121, %get3A_122] {strides = array<i32>} : memref<8x512xi32, #tpu.memory_space<vmem>>, vector<16xi32>,
      %gather3A_124 = tpu.vector_load_idx %arg6[%get3A_123] : memref<100000xi32, #tpu.memory_space<vmem>>[vector<16xi32>], vector<16xi32>,
      %shift_left3A_125 = arith.constant 16 : i32
      %shift_left3A_126 = vector.broadcast %shift_left3A_125 : i32 to vector<16xi32>
      %shift_left3A_127 = arith.shli %gather3A_124, %shift_left3A_126 : vector<16xi32>
      %bitcast3A_128 = vector.bitcast %shift_left3A_127 : vector<16xi32> to vector<16xf32>
      %add3A_129 = arith.addf %add3A_105, %bitcast3A_128 : vector<16xf32>
      %mul3A_130 = arith.constant 16 : i32
      %mul3A_131 = arith.muli %add3A_57, %mul3A_130 : i32
      %get3A_132 = arith.constant 6 : i32
      %get3A_133 = arith.index_cast %get3A_132 : i32 to index
      %get3A_134 = arith.index_cast %mul3A_131 : i32 to index
      %get3A_135 = tpu.vector_load %arg8[%get3A_133, %get3A_134] {strides = array<i32>} : memref<8x512xi32, #tpu.memory_space<vmem>>, vector<16xi32>,
      %gather3A_136 = tpu.vector_load_idx %arg6[%get3A_135] : memref<100000xi32, #tpu.memory_space<vmem>>[vector<16xi32>], vector<16xi32>,
      %shift_left3A_137 = arith.constant 16 : i32
      %shift_left3A_138 = vector.broadcast %shift_left3A_137 : i32 to vector<16xi32>
      %shift_left3A_139 = arith.shli %gather3A_136, %shift_left3A_138 : vector<16xi32>
      %bitcast3A_140 = vector.bitcast %shift_left3A_139 : vector<16xi32> to vector<16xf32>
      %add3A_141 = arith.addf %add3A_117, %bitcast3A_140 : vector<16xf32>
      %mul3A_142 = arith.constant 16 : i32
      %mul3A_143 = arith.muli %add3A_57, %mul3A_142 : i32
      %get3A_144 = arith.constant 7 : i32
      %get3A_145 = arith.index_cast %get3A_144 : i32 to index
      %get3A_146 = arith.index_cast %mul3A_143 : i32 to index
      %get3A_147 = tpu.vector_load %arg8[%get3A_145, %get3A_146] {strides = array<i32>} : memref<8x512xi32, #tpu.memory_space<vmem>>, vector<16xi32>,
      %gather3A_148 = tpu.vector_load_idx %arg6[%get3A_147] : memref<100000xi32, #tpu.memory_space<vmem>>[vector<16xi32>], vector<16xi32>,
      %shift_left3A_149 = arith.constant 16 : i32
      %shift_left3A_150 = vector.broadcast %shift_left3A_149 : i32 to vector<16xi32>
      %shift_left3A_151 = arith.shli %gather3A_148, %shift_left3A_150 : vector<16xi32>
      %bitcast3A_152 = vector.bitcast %shift_left3A_151 : vector<16xi32> to vector<16xf32>
      %add3A_153 = arith.addf %add3A_129, %bitcast3A_152 : vector<16xf32>
      %mul3A_154 = arith.constant 16 : i32
      %mul3A_155 = arith.muli %add3A_57, %mul3A_154 : i32
      %get3A_156 = arith.index_cast %mul3A_155 : i32 to index
      %get3A_157 = tpu.vector_load %arg10[%get3A_156] {strides = array<i32>} : memref<512xf32, #tpu.memory_space<vmem>>, vector<16xf32>,
      %add3A_158 = arith.addf %add3A_141, %add3A_153 : vector<16xf32>
      %add3A_159 = arith.addf %get3A_157, %add3A_158 : vector<16xf32>
      %mul3A_160 = arith.constant 16 : i32
      %mul3A_161 = arith.muli %add3A_57, %mul3A_160 : i32
      %swap3A = arith.index_cast %mul3A_161 : i32 to index
      %swap3A_162 = tpu.vector_load %arg10[%swap3A] {strides = array<i32>} : memref<512xf32, #tpu.memory_space<vmem>>, vector<16xf32>,
      tpu.vector_store %arg10[%swap3A], %add3A_159 {strides = array<i32>} : memref<512xf32, #tpu.memory_space<vmem>>, vector<16xf32>,
      %mul3A_163 = arith.constant 2 : i32
      %mul3A_164 = arith.muli %mul3A_163, %scan3A_53 : i32
      %add3A_165 = arith.constant 1 : i32
      %add3A_166 = arith.addi %mul3A_164, %add3A_165 : i32
      %broadcast_in_dim3A_167 = arith.constant 0.000000e+00 : f32
      %broadcast_in_dim3A_168 = vector.broadcast %broadcast_in_dim3A_167 : f32 to vector<16xf32>
      %broadcast_in_dim3A_169 = arith.constant 0.000000e+00 : f32
      %broadcast_in_dim3A_170 = vector.broadcast %broadcast_in_dim3A_169 : f32 to vector<16xf32>
      %mul3A_171 = arith.constant 16 : i32
      %mul3A_172 = arith.muli %add3A_166, %mul3A_171 : i32
      %get3A_173 = arith.constant 0 : i32
      %get3A_174 = arith.index_cast %get3A_173 : i32 to index
      %get3A_175 = arith.index_cast %mul3A_172 : i32 to index
      %get3A_176 = tpu.vector_load %arg8[%get3A_174, %get3A_175] {strides = array<i32>} : memref<8x512xi32, #tpu.memory_space<vmem>>, vector<16xi32>,
      %gather3A_177 = tpu.vector_load_idx %arg6[%get3A_176] : memref<100000xi32, #tpu.memory_space<vmem>>[vector<16xi32>], vector<16xi32>,
      %shift_left3A_178 = arith.constant 16 : i32
      %shift_left3A_179 = vector.broadcast %shift_left3A_178 : i32 to vector<16xi32>
      %shift_left3A_180 = arith.shli %gather3A_177, %shift_left3A_179 : vector<16xi32>
      %bitcast3A_181 = vector.bitcast %shift_left3A_180 : vector<16xi32> to vector<16xf32>
      %add3A_182 = arith.addf %broadcast_in_dim3A_168, %bitcast3A_181 : vector<16xf32>
      %mul3A_183 = arith.constant 16 : i32
      %mul3A_184 = arith.muli %add3A_166, %mul3A_183 : i32
      %get3A_185 = arith.constant 1 : i32
      %get3A_186 = arith.index_cast %get3A_185 : i32 to index
      %get3A_187 = arith.index_cast %mul3A_184 : i32 to index
      %get3A_188 = tpu.vector_load %arg8[%get3A_186, %get3A_187] {strides = array<i32>} : memref<8x512xi32, #tpu.memory_space<vmem>>, vector<16xi32>,
      %gather3A_189 = tpu.vector_load_idx %arg6[%get3A_188] : memref<100000xi32, #tpu.memory_space<vmem>>[vector<16xi32>], vector<16xi32>,
      %shift_left3A_190 = arith.constant 16 : i32
      %shift_left3A_191 = vector.broadcast %shift_left3A_190 : i32 to vector<16xi32>
      %shift_left3A_192 = arith.shli %gather3A_189, %shift_left3A_191 : vector<16xi32>
      %bitcast3A_193 = vector.bitcast %shift_left3A_192 : vector<16xi32> to vector<16xf32>
      %add3A_194 = arith.addf %broadcast_in_dim3A_170, %bitcast3A_193 : vector<16xf32>
      %mul3A_195 = arith.constant 16 : i32
      %mul3A_196 = arith.muli %add3A_166, %mul3A_195 : i32
      %get3A_197 = arith.constant 2 : i32
      %get3A_198 = arith.index_cast %get3A_197 : i32 to index
      %get3A_199 = arith.index_cast %mul3A_196 : i32 to index
      %get3A_200 = tpu.vector_load %arg8[%get3A_198, %get3A_199] {strides = array<i32>} : memref<8x512xi32, #tpu.memory_space<vmem>>, vector<16xi32>,
      %gather3A_201 = tpu.vector_load_idx %arg6[%get3A_200] : memref<100000xi32, #tpu.memory_space<vmem>>[vector<16xi32>], vector<16xi32>,
      %shift_left3A_202 = arith.constant 16 : i32
      %shift_left3A_203 = vector.broadcast %shift_left3A_202 : i32 to vector<16xi32>
      %shift_left3A_204 = arith.shli %gather3A_201, %shift_left3A_203 : vector<16xi32>
      %bitcast3A_205 = vector.bitcast %shift_left3A_204 : vector<16xi32> to vector<16xf32>
      %add3A_206 = arith.addf %add3A_182, %bitcast3A_205 : vector<16xf32>
      %mul3A_207 = arith.constant 16 : i32
      %mul3A_208 = arith.muli %add3A_166, %mul3A_207 : i32
      %get3A_209 = arith.constant 3 : i32
      %get3A_210 = arith.index_cast %get3A_209 : i32 to index
      %get3A_211 = arith.index_cast %mul3A_208 : i32 to index
      %get3A_212 = tpu.vector_load %arg8[%get3A_210, %get3A_211] {strides = array<i32>} : memref<8x512xi32, #tpu.memory_space<vmem>>, vector<16xi32>,
      %gather3A_213 = tpu.vector_load_idx %arg6[%get3A_212] : memref<100000xi32, #tpu.memory_space<vmem>>[vector<16xi32>], vector<16xi32>,
      %shift_left3A_214 = arith.constant 16 : i32
      %shift_left3A_215 = vector.broadcast %shift_left3A_214 : i32 to vector<16xi32>
      %shift_left3A_216 = arith.shli %gather3A_213, %shift_left3A_215 : vector<16xi32>
      %bitcast3A_217 = vector.bitcast %shift_left3A_216 : vector<16xi32> to vector<16xf32>
      %add3A_218 = arith.addf %add3A_194, %bitcast3A_217 : vector<16xf32>
      %mul3A_219 = arith.constant 16 : i32
      %mul3A_220 = arith.muli %add3A_166, %mul3A_219 : i32
      %get3A_221 = arith.constant 4 : i32
      %get3A_222 = arith.index_cast %get3A_221 : i32 to index
      %get3A_223 = arith.index_cast %mul3A_220 : i32 to index
      %get3A_224 = tpu.vector_load %arg8[%get3A_222, %get3A_223] {strides = array<i32>} : memref<8x512xi32, #tpu.memory_space<vmem>>, vector<16xi32>,
      %gather3A_225 = tpu.vector_load_idx %arg6[%get3A_224] : memref<100000xi32, #tpu.memory_space<vmem>>[vector<16xi32>], vector<16xi32>,
      %shift_left3A_226 = arith.constant 16 : i32
      %shift_left3A_227 = vector.broadcast %shift_left3A_226 : i32 to vector<16xi32>
      %shift_left3A_228 = arith.shli %gather3A_225, %shift_left3A_227 : vector<16xi32>
      %bitcast3A_229 = vector.bitcast %shift_left3A_228 : vector<16xi32> to vector<16xf32>
      %add3A_230 = arith.addf %add3A_206, %bitcast3A_229 : vector<16xf32>
      %mul3A_231 = arith.constant 16 : i32
      %mul3A_232 = arith.muli %add3A_166, %mul3A_231 : i32
      %get3A_233 = arith.constant 5 : i32
      %get3A_234 = arith.index_cast %get3A_233 : i32 to index
      %get3A_235 = arith.index_cast %mul3A_232 : i32 to index
      %get3A_236 = tpu.vector_load %arg8[%get3A_234, %get3A_235] {strides = array<i32>} : memref<8x512xi32, #tpu.memory_space<vmem>>, vector<16xi32>,
      %gather3A_237 = tpu.vector_load_idx %arg6[%get3A_236] : memref<100000xi32, #tpu.memory_space<vmem>>[vector<16xi32>], vector<16xi32>,
      %shift_left3A_238 = arith.constant 16 : i32
      %shift_left3A_239 = vector.broadcast %shift_left3A_238 : i32 to vector<16xi32>
      %shift_left3A_240 = arith.shli %gather3A_237, %shift_left3A_239 : vector<16xi32>
      %bitcast3A_241 = vector.bitcast %shift_left3A_240 : vector<16xi32> to vector<16xf32>
      %add3A_242 = arith.addf %add3A_218, %bitcast3A_241 : vector<16xf32>
      %mul3A_243 = arith.constant 16 : i32
      %mul3A_244 = arith.muli %add3A_166, %mul3A_243 : i32
      %get3A_245 = arith.constant 6 : i32
      %get3A_246 = arith.index_cast %get3A_245 : i32 to index
      %get3A_247 = arith.index_cast %mul3A_244 : i32 to index
      %get3A_248 = tpu.vector_load %arg8[%get3A_246, %get3A_247] {strides = array<i32>} : memref<8x512xi32, #tpu.memory_space<vmem>>, vector<16xi32>,
      %gather3A_249 = tpu.vector_load_idx %arg6[%get3A_248] : memref<100000xi32, #tpu.memory_space<vmem>>[vector<16xi32>], vector<16xi32>,
      %shift_left3A_250 = arith.constant 16 : i32
      %shift_left3A_251 = vector.broadcast %shift_left3A_250 : i32 to vector<16xi32>
      %shift_left3A_252 = arith.shli %gather3A_249, %shift_left3A_251 : vector<16xi32>
      %bitcast3A_253 = vector.bitcast %shift_left3A_252 : vector<16xi32> to vector<16xf32>
      %add3A_254 = arith.addf %add3A_230, %bitcast3A_253 : vector<16xf32>
      %mul3A_255 = arith.constant 16 : i32
      %mul3A_256 = arith.muli %add3A_166, %mul3A_255 : i32
      %get3A_257 = arith.constant 7 : i32
      %get3A_258 = arith.index_cast %get3A_257 : i32 to index
      %get3A_259 = arith.index_cast %mul3A_256 : i32 to index
      %get3A_260 = tpu.vector_load %arg8[%get3A_258, %get3A_259] {strides = array<i32>} : memref<8x512xi32, #tpu.memory_space<vmem>>, vector<16xi32>,
      %gather3A_261 = tpu.vector_load_idx %arg6[%get3A_260] : memref<100000xi32, #tpu.memory_space<vmem>>[vector<16xi32>], vector<16xi32>,
      %shift_left3A_262 = arith.constant 16 : i32
      %shift_left3A_263 = vector.broadcast %shift_left3A_262 : i32 to vector<16xi32>
      %shift_left3A_264 = arith.shli %gather3A_261, %shift_left3A_263 : vector<16xi32>
      %bitcast3A_265 = vector.bitcast %shift_left3A_264 : vector<16xi32> to vector<16xf32>
      %add3A_266 = arith.addf %add3A_242, %bitcast3A_265 : vector<16xf32>
      %mul3A_267 = arith.constant 16 : i32
      %mul3A_268 = arith.muli %add3A_166, %mul3A_267 : i32
      %get3A_269 = arith.index_cast %mul3A_268 : i32 to index
      %get3A_270 = tpu.vector_load %arg10[%get3A_269] {strides = array<i32>} : memref<512xf32, #tpu.memory_space<vmem>>, vector<16xf32>,
      %add3A_271 = arith.addf %add3A_254, %add3A_266 : vector<16xf32>
      %add3A_272 = arith.addf %get3A_270, %add3A_271 : vector<16xf32>
      %mul3A_273 = arith.constant 16 : i32
      %mul3A_274 = arith.muli %add3A_166, %mul3A_273 : i32
      %swap3A_275 = arith.index_cast %mul3A_274 : i32 to index
      %swap3A_276 = tpu.vector_load %arg10[%swap3A_275] {strides = array<i32>} : memref<512xf32, #tpu.memory_space<vmem>>, vector<16xf32>,
      tpu.vector_store %arg10[%swap3A_275], %add3A_272 {strides = array<i32>} : memref<512xf32, #tpu.memory_space<vmem>>, vector<16xf32>,
    }
    %scan3A_52 = arith.constant 16 : i32
    "tpu.region"() ({
      %run_scoped3A = tpu.sem_alloc : memref<!tpu.dma_semaphore, #tpu.memory_space<semaphore_mem>>
      %dma_start3A_53 = tpu.memref_slice %arg5[%mul3A_2] : memref<16384xf32, #tpu.memory_space<hbm>> -> memref<512xf32, #tpu.memory_space<hbm>>
      %dma_start3A_54 = tpu.memref_slice %arg5[%mul3A_2] : memref<16384xf32, #tpu.memory_space<hbm>> -> memref<512xf32, #tpu.memory_space<hbm>>
      tpu.enqueue_dma source(%arg10 : memref<512xf32, #tpu.memory_space<vmem>>) target(%dma_start3A_54 : memref<512xf32, #tpu.memory_space<hbm>>) target_semaphore(%run_scoped3A : memref<!tpu.dma_semaphore, #tpu.memory_space<semaphore_mem>>)
      %dma_wait3A_55 = tpu.memref_slice %arg5[%mul3A_2] : memref<16384xf32, #tpu.memory_space<hbm>> -> memref<512xf32, #tpu.memory_space<hbm>>
      %dma_wait3A_56 = tpu.memref_slice %arg5[%mul3A_2] : memref<16384xf32, #tpu.memory_space<hbm>> -> memref<512xf32, #tpu.memory_space<hbm>>
      tpu.wait_dma2 semaphore(%run_scoped3A : memref<!tpu.dma_semaphore, #tpu.memory_space<semaphore_mem>>) src(%arg10 : memref<512xf32, #tpu.memory_space<vmem>>) dst(%dma_wait3A_56 : memref<512xf32, #tpu.memory_space<hbm>>)
      tpu.yield
    }) : () -> ()
    return
  }
}

module attributes {stable_mosaic.version = 14 : i64} {
  func.func @_add_body(%arg0: i32, %arg1: memref<1x8192xf32, #tpu.memory_space<vmem>>, %arg2: memref<1x8192xf32, #tpu.memory_space<vmem>>, %arg3: memref<1x8192xf32, #tpu.memory_space<vmem>>) attributes {dimension_semantics = [#tpu.dimension_semantics<arbitrary>], iteration_bounds = array<i64: 2>, scalar_prefetch = 0 : i64, scratch_operands = 0 : i64, tpu.core_type = #tpu.core_type<tc>, window_params = [{transform_indices = @transform_0, window_bounds = array<i64: 1, 8192>}, {transform_indices = @transform_1, window_bounds = array<i64: 1, 8192>}, {transform_indices = @transform_2, window_bounds = array<i64: 1, 8192>}]} {
    %get3A = arith.constant 0 : index
    %get3A_0 = arith.constant 0 : index
    %get3A_1 = vector.load %arg1[%get3A, %get3A_0] : memref<1x8192xf32, #tpu.memory_space<vmem>>, vector<1x8192xf32>
    %get3A_2 = arith.constant 0 : index
    %get3A_3 = arith.constant 0 : index
    %get3A_4 = vector.load %arg2[%get3A_2, %get3A_3] : memref<1x8192xf32, #tpu.memory_space<vmem>>, vector<1x8192xf32>
    %add3A = arith.addf %get3A_1, %get3A_4 : vector<1x8192xf32>
    %swap3A = arith.constant 0 : index
    %swap3A_5 = arith.constant 0 : index
    %swap3A_6 = vector.load %arg3[%swap3A, %swap3A_5] : memref<1x8192xf32, #tpu.memory_space<vmem>>, vector<1x8192xf32>
    tpu.vector_store %arg3[%swap3A, %swap3A_5], %add3A {strides = array<i32>} : memref<1x8192xf32, #tpu.memory_space<vmem>>, vector<1x8192xf32>,
    return
  }
  func.func @transform_0(%arg0: i32) -> (i32, i32) {
    %c0_i32 = arith.constant 0 : i32
    %c0_i32_0 = arith.constant 0 : i32
    return %c0_i32, %arg0 : i32, i32
  }
  func.func @transform_1(%arg0: i32) -> (i32, i32) {
    %c0_i32 = arith.constant 0 : i32
    %c0_i32_0 = arith.constant 0 : i32
    return %c0_i32, %arg0 : i32, i32
  }
  func.func @transform_2(%arg0: i32) -> (i32, i32) {
    %c0_i32 = arith.constant 0 : i32
    %c0_i32_0 = arith.constant 0 : i32
    return %c0_i32, %arg0 : i32, i32
  }
}

module attributes {stable_mosaic.version = 14 : i64} {
  func.func @_scores_body(%arg0: i32, %arg1: memref<64x12800xf32, #tpu.memory_space<vmem>>, %arg2: memref<2x64xf32, #tpu.memory_space<vmem>>, %arg3: memref<1x12800xi32, #tpu.memory_space<vmem>>) attributes {dimension_semantics = [#tpu.dimension_semantics<arbitrary>], iteration_bounds = array<i64: 8>, scalar_prefetch = 0 : i64, scratch_operands = 0 : i64, tpu.core_type = #tpu.core_type<tc>, window_params = [{transform_indices = @transform_0, window_bounds = array<i64: 64, 12800>}, {pipeline_mode = #tpu.pipeline_mode<synchronous>, transform_indices = @transform_1, window_bounds = array<i64: 2, 64>}, {transform_indices = @transform_2, window_bounds = array<i64: 1, 12800>}]} {
    %get3A = arith.constant 0 : index
    %get3A_0 = arith.constant 0 : index
    %get3A_1 = vector.load %arg2[%get3A, %get3A_0] : memref<2x64xf32, #tpu.memory_space<vmem>>, vector<2x64xf32>
    %get3A_2 = arith.constant 0 : index
    %get3A_3 = arith.constant 0 : index
    %get3A_4 = vector.load %arg1[%get3A_2, %get3A_3] : memref<64x12800xf32, #tpu.memory_space<vmem>>, vector<64x12800xf32>
    %dot_general3A = arith.constant dense<0.000000e+00> : vector<2x12800xf32>
    %dot_general3A_5 = tpu.matmul %get3A_1, %get3A_4, %dot_general3A {dimension_numbers = #tpu.dot_dimension_numbers<[1], [0], [0], [1], [0, 0, 1, 1], [], []>, transpose_lhs_hint = false} : vector<2x64xf32>, vector<64x12800xf32>, vector<2x12800xf32> -> vector<2x12800xf32>
    %slice3A = vector.extract_strided_slice %dot_general3A_5 {offsets = [0, 0], sizes = [1, 12800], strides = [1, 1]} : vector<2x12800xf32> to vector<1x12800xf32>
    %convert_element_type3A = arith.truncf %slice3A : vector<1x12800xf32> to vector<1x12800xbf16>
    %bitcast_convert_type3A = tpu.bitcast %convert_element_type3A : vector<1x12800xbf16> -> vector<1x12800xi16>
    %convert_element_type3A_6 = arith.extui %bitcast_convert_type3A : vector<1x12800xi16> to vector<1x12800xi32>
    %slice3A_7 = vector.extract_strided_slice %dot_general3A_5 {offsets = [1, 0], sizes = [1, 12800], strides = [1, 1]} : vector<2x12800xf32> to vector<1x12800xf32>
    %convert_element_type3A_8 = arith.truncf %slice3A_7 : vector<1x12800xf32> to vector<1x12800xbf16>
    %bitcast_convert_type3A_9 = tpu.bitcast %convert_element_type3A_8 : vector<1x12800xbf16> -> vector<1x12800xi16>
    %convert_element_type3A_10 = arith.extui %bitcast_convert_type3A_9 : vector<1x12800xi16> to vector<1x12800xi32>
    %shift_left3A = arith.constant 16 : i32
    %shift_left3A_11 = vector.broadcast %shift_left3A : i32 to vector<1x12800xi32>
    %shift_left3A_12 = arith.shli %convert_element_type3A_6, %shift_left3A_11 : vector<1x12800xi32>
    %or3A = arith.ori %shift_left3A_12, %convert_element_type3A_10 : vector<1x12800xi32>
    %bitcast_convert_type3A_13 = tpu.bitcast %or3A : vector<1x12800xi32> -> vector<1x12800xi32>
    %swap3A = arith.constant 0 : index
    %swap3A_14 = arith.constant 0 : index
    %swap3A_15 = vector.load %arg3[%swap3A, %swap3A_14] : memref<1x12800xi32, #tpu.memory_space<vmem>>, vector<1x12800xi32>
    tpu.vector_store %arg3[%swap3A, %swap3A_14], %bitcast_convert_type3A_13 {strides = array<i32>} : memref<1x12800xi32, #tpu.memory_space<vmem>>, vector<1x12800xi32>,
    return
  }
  func.func @transform_0(%arg0: i32) -> (i32, i32) {
    %c0_i32 = arith.constant 0 : i32
    %c0_i32_0 = arith.constant 0 : i32
    return %c0_i32, %arg0 : i32, i32
  }
  func.func @transform_1(%arg0: i32) -> (i32, i32) {
    %c0_i32 = arith.constant 0 : i32
    %c0_i32_0 = arith.constant 0 : i32
    %c0_i32_1 = arith.constant 0 : i32
    return %c0_i32, %c0_i32_0 : i32, i32
  }
  func.func @transform_2(%arg0: i32) -> (i32, i32) {
    %c0_i32 = arith.constant 0 : i32
    %c0_i32_0 = arith.constant 0 : i32
    return %c0_i32, %arg0 : i32, i32
  }
}

module attributes {stable_mosaic.version = 14 : i64} {
  func.func @_cat_body(%arg0: i32, %arg1: memref<100x2048xf32, #tpu.memory_space<vmem>>, %arg2: memref<100x128xf32, #tpu.memory_space<vmem>>, %arg3: memref<128x1xf32, #tpu.memory_space<vmem>>, %arg4: memref<1x128xf32, #tpu.memory_space<vmem>>, %arg5: memref<1x1xf32, #tpu.memory_space<vmem>>, %arg6: memref<1x2048xf32, #tpu.memory_space<vmem>>) attributes {dimension_semantics = [#tpu.dimension_semantics<arbitrary>], iteration_bounds = array<i64: 8>, scalar_prefetch = 0 : i64, scratch_operands = 0 : i64, tpu.core_type = #tpu.core_type<tc>, window_params = [{transform_indices = @transform_0, window_bounds = array<i64: 100, 2048>}, {pipeline_mode = #tpu.pipeline_mode<synchronous>, transform_indices = @transform_1, window_bounds = array<i64: 100, 128>}, {pipeline_mode = #tpu.pipeline_mode<synchronous>, transform_indices = @transform_2, window_bounds = array<i64: 128, 1>}, {pipeline_mode = #tpu.pipeline_mode<synchronous>, transform_indices = @transform_3, window_bounds = array<i64: 1, 128>}, {pipeline_mode = #tpu.pipeline_mode<synchronous>, transform_indices = @transform_4, window_bounds = array<i64: 1, 1>}, {transform_indices = @transform_5, window_bounds = array<i64: 1, 2048>}]} {
    %get3A = arith.constant 0 : index
    %get3A_0 = arith.constant 0 : index
    %get3A_1 = vector.load %arg2[%get3A, %get3A_0] : memref<100x128xf32, #tpu.memory_space<vmem>>, vector<100x128xf32>
    %get3A_2 = arith.constant 0 : index
    %get3A_3 = arith.constant 0 : index
    %get3A_4 = vector.load %arg1[%get3A_2, %get3A_3] : memref<100x2048xf32, #tpu.memory_space<vmem>>, vector<100x2048xf32>
    %dot_general3A = arith.constant dense<0.000000e+00> : vector<128x2048xf32>
    %dot_general3A_5 = tpu.matmul %get3A_1, %get3A_4, %dot_general3A {dimension_numbers = #tpu.dot_dimension_numbers<[0], [0], [1], [1], [0, 1, 1, 1], [], []>, transpose_lhs_hint = false} : vector<100x128xf32>, vector<100x2048xf32>, vector<128x2048xf32> -> vector<128x2048xf32>
    %get3A_6 = arith.constant 0 : index
    %get3A_7 = arith.constant 0 : index
    %get3A_8 = vector.load %arg3[%get3A_6, %get3A_7] : memref<128x1xf32, #tpu.memory_space<vmem>>, vector<128x1xf32>
    %add3A = vector.broadcast %get3A_8 : vector<128x1xf32> to vector<128x2048xf32>
    %add3A_9 = arith.addf %dot_general3A_5, %add3A : vector<128x2048xf32>
    %max3A = arith.constant 0.000000e+00 : f32
    %max3A_10 = vector.broadcast %max3A : f32 to vector<128x2048xf32>
    %max3A_11 = arith.maximumf %add3A_9, %max3A_10 : vector<128x2048xf32>
    %get3A_12 = arith.constant 0 : index
    %get3A_13 = arith.constant 0 : index
    %get3A_14 = vector.load %arg4[%get3A_12, %get3A_13] : memref<1x128xf32, #tpu.memory_space<vmem>>, vector<1x128xf32>
    %dot_general3A_15 = arith.constant dense<0.000000e+00> : vector<1x2048xf32>
    %dot_general3A_16 = tpu.matmul %get3A_14, %max3A_11, %dot_general3A_15 {dimension_numbers = #tpu.dot_dimension_numbers<[1], [0], [0], [1], [0, 0, 1, 1], [], []>, transpose_lhs_hint = false} : vector<1x128xf32>, vector<128x2048xf32>, vector<1x2048xf32> -> vector<1x2048xf32>
    %get3A_17 = arith.constant 0 : index
    %get3A_18 = arith.constant 0 : index
    %get3A_19 = vector.load %arg5[%get3A_17, %get3A_18] : memref<1x1xf32, #tpu.memory_space<vmem>>, vector<1x1xf32>
    %get3A_20 = vector.extract %get3A_19[0, 0] : f32 from vector<1x1xf32>
    %add3A_21 = vector.broadcast %get3A_20 : f32 to vector<1x2048xf32>
    %add3A_22 = arith.addf %dot_general3A_16, %add3A_21 : vector<1x2048xf32>
    %swap3A = arith.constant 0 : index
    %swap3A_23 = arith.constant 0 : index
    %swap3A_24 = vector.load %arg6[%swap3A, %swap3A_23] : memref<1x2048xf32, #tpu.memory_space<vmem>>, vector<1x2048xf32>
    tpu.vector_store %arg6[%swap3A, %swap3A_23], %add3A_22 {strides = array<i32>} : memref<1x2048xf32, #tpu.memory_space<vmem>>, vector<1x2048xf32>,
    return
  }
  func.func @transform_0(%arg0: i32) -> (i32, i32) {
    %c0_i32 = arith.constant 0 : i32
    %c0_i32_0 = arith.constant 0 : i32
    return %c0_i32, %arg0 : i32, i32
  }
  func.func @transform_1(%arg0: i32) -> (i32, i32) {
    %c0_i32 = arith.constant 0 : i32
    %c0_i32_0 = arith.constant 0 : i32
    %c0_i32_1 = arith.constant 0 : i32
    return %c0_i32, %c0_i32_0 : i32, i32
  }
  func.func @transform_2(%arg0: i32) -> (i32, i32) {
    %c0_i32 = arith.constant 0 : i32
    %c0_i32_0 = arith.constant 0 : i32
    %c0_i32_1 = arith.constant 0 : i32
    return %c0_i32, %c0_i32_0 : i32, i32
  }
  func.func @transform_3(%arg0: i32) -> (i32, i32) {
    %c0_i32 = arith.constant 0 : i32
    %c0_i32_0 = arith.constant 0 : i32
    %c0_i32_1 = arith.constant 0 : i32
    return %c0_i32, %c0_i32_0 : i32, i32
  }
  func.func @transform_4(%arg0: i32) -> (i32, i32) {
    %c0_i32 = arith.constant 0 : i32
    %c0_i32_0 = arith.constant 0 : i32
    %c0_i32_1 = arith.constant 0 : i32
    return %c0_i32, %c0_i32_0 : i32, i32
  }
  func.func @transform_5(%arg0: i32) -> (i32, i32) {
    %c0_i32 = arith.constant 0 : i32
    %c0_i32_0 = arith.constant 0 : i32
    return %c0_i32, %arg0 : i32, i32
  }
}

</mosaic_0001>

<sc_bundles>
// kernel: kernel.6.cloned.1.call-start
scs
__scs_entry_jumppad:
0x0: {  	(pc) =	sbr.rel $0x88, $3  }
0x1: {  	(tag) =	ssettag $0x0;
	lr =	simm.s32 $0x1  }
0x2: {  	[smem:$0x3F99] =	sst lr;
	_ =	strace $0xD0000000  }
0x3: {  	_ = 	snop  }
0x4: {  	_ = 	snop  }
0x5: {  	_ = 	snop  }
0x6: {  	_ = 	snop  }
0x7: {  	_ = 	snop  }
__scs_overlays_trampoline_lowered:
0x8: {  	[smem:$0x3FA8] =	sst s0  }
0x9: {  	[smem:$0x3FA9] =	sst s1  }
0xa: {  	[smem:$0x3FAA] =	sst s2  }
0xb: {  	[smem:$0x3FAB] =	sst s3  }
0xc: {  	[smem:$0x3FAC] =	sst s4  }
0xd: {  	[smem:$0x3FAD] =	sst s5  }
0xe: {  	[smem:$0x3FAE] =	sst s6  }
0xf: {  	[smem:$0x3FAF] =	sst s7  }
0x10: {  	[smem:$0x3FB0] =	sst s8  }
0x11: {  	[smem:$0x3FB1] =	sst s9;
	s0 =	simm.s32 @!p0 $0x0  }
0x12: {  	s1 =	sld [smem:$0x3F97];
	s0 =	simm.s32 @p0 $0x1  }
0x13: {  	[smem:$0x3FB2] =	sst s0;
	s0 =	simm.s32 @!p1 $0x0  }
0x14: {  	s2 =	sld [smem:$0x3F96];
	s0 =	simm.s32 @p1 $0x1  }
0x15: {  	[smem:$0x3FB3] =	sst s0;
	s0 =	simm.s32 @!p2 $0x0  }
0x16: {  	s3 =	sld [smem:$0x3FDB];
	s0 =	simm.s32 @p2 $0x1  }
0x17: {  	s4 =	simm.s32 $0x1BF5;
	[smem:$0x3FB5] =	sst s0  }
0x18: {  	s0 =	sld [smem:$0x3F98];
	_ =	swait.ge [sflag:s4], $0x0  }
0x19: {  	s7 =	sld [smem:$0x3F99]  }
0x1a: {  	s8 =	sadd.s32 $0xFFFFE003, lr  }
0x1b: {  	s9 =	sadd.s32 $0xFFFFFEF7, lr;
	s5 =	simm.s32 $0xFFFFFFFF;
	p2 =	slt.u32 s8, $0xFFFFF086  }
0x1c: {  	p1 =	slt.u32 s9, $0xF7A;
	s5 =	simm.s32 @!p2 $0x0  }
0x1d: {  	s5 =	simm.s32 @p1 $0x1;
	p0 =	seq.s32 s7, s2  }
0x1e: {  	s7 =	smul.u32 @!p0 $0xF7A, s2;
	p2 =	seq.s32 @!p0 s5, $0x0  }
0x1f: {  	s9 =	smul.u32 $0xF7A, s1;
	s8 =	simm.s32 @!p0 $0x1BF5;
	p2 =	por !p2, p0  }
0x20: {  	[sflag:s8] =	ssyncset.s32 @!p0 $0xFFFFF086;
	s6 =	sadd.s32 @!p0 s3, s7;
	s7 =	simm.s32 @!p0 $0x108  }
0x21: {  	s3 =	sadd.s32 s3, s9;
	s6 =	sadd.s32 @!p0 $0x88, s6;
	s7 =	simm.s32 @p2 $0x1082  }
0x22: {  	[simem:s7], [sflag:s8] =	dma.local @!p0 [hbm:s6], $0xF7A  }
0x23: {  	s9 =	sor.u32 $0xD0000000, s2;
	s6 =	simm.s32 $0x108;
	_ =	swait.ge @!p0 [sflag:s8], $0x0  }
0x24: {  	s3 =	sadd.s32 $0x88, s3;
	s6 =	simm.s32 @!p1 $0x1082;
	[sflag:s4] =	ssyncset.s32 $0xFFFFF086  }
0x25: {  	[simem:s6], [sflag:s4] =	dma.local [hbm:s3], $0xF7A  }
0x26: {  	[smem:$0x3F99] =	sst s1;
	(tag) =	ssettag s2;
	_ =	strace s9  }
0x27: {  	s1 =	sld [smem:$0x3FA9]  }
0x28: {  	s2 =	sld [smem:$0x3FAA]  }
0x29: {  	s4 =	sld [smem:$0x3FAC]  }
0x2a: {  	p0 =	seq.s32 s5, $0x0;
	s5 =	sld [smem:$0x3FAD]  }
0x2b: {  	s6 =	sld [smem:$0x3FAE]  }
0x2c: {  	s7 =	sld [smem:$0x3FAF]  }
0x2d: {  	s3 =	simm.s32 $0x108;
	s8 =	sld [smem:$0x3FB0]  }
0x2e: {  	s3 =	simm.s32 @!p0 $0x1082;
	s9 =	sld [smem:$0x3FB1]  }
0x2f: {  	lr =	sadd.s32 s0, s3;
	s0 =	sld [smem:$0x3FA8]  }
0x30: {  	s3 =	sld [smem:$0x3FAB]  }
0x31: {  	[smem:$0x3FB4] =	sst s10  }
0x32: {  	s10 =	sld [smem:$0x3FB2];
	_ =	sdelay $0x3  }
0x33: {  	p0 =	seq.s32 s10, $0x1;
	s10 =	sld [smem:$0x3FB4];
	_ =	sdelay $0x3  }
0x34: {  	[smem:$0x3FB4] =	sst s10  }
0x35: {  	s10 =	sld [smem:$0x3FB3];
	_ =	sdelay $0x3  }
0x36: {  	p1 =	seq.s32 s10, $0x1;
	s10 =	sld [smem:$0x3FB4];
	_ =	sdelay $0x3  }
0x37: {  	[smem:$0x3FB4] =	sst s10  }
0x38: {  	s10 =	sld [smem:$0x3FB5]  }
0x39: {  	_ = 	snop;
	(pc) =	sbr.ind lr, $3  }
0x3a: {  	_ = 	snop  }
0x3b: {  	_ = 	snop  }
0x3c: {  	p2 =	seq.s32 s10, $0x1;
	s10 =	sld [smem:$0x3FB4]  }
0x3d: {  	_ =	shalt  }
0x3e: {  	_ =	shalt  }
0x3f: {  	_ =	shalt  }
0x40: {  	_ =	shalt  }
0x41: {  	_ =	shalt  }
0x42: {  	_ =	shalt  }
0x43: {  	_ =	shalt  }
0x44: {  	_ =	shalt  }
0x45: {  	_ =	shalt  }
0x46: {  	_ =	shalt  }
0x47: {  	_ =	shalt  }
0x48: {  	_ =	shalt  }
0x49: {  	_ =	shalt  }
0x4a: {  	_ =	shalt  }
0x4b: {  	_ =	shalt  }
0x4c: {  	_ =	shalt  }
0x4d: {  	_ =	shalt  }
0x4e: {  	_ =	shalt  }
0x4f: {  	_ =	shalt  }
0x50: {  	_ =	shalt  }
0x51: {  	_ =	shalt  }
0x52: {  	_ =	shalt  }
0x53: {  	_ =	shalt  }
0x54: {  	_ =	shalt  }
0x55: {  	_ =	shalt  }
0x56: {  	_ =	shalt  }
0x57: {  	_ =	shalt  }
0x58: {  	_ =	shalt  }
0x59: {  	_ =	shalt  }
0x5a: {  	_ =	shalt  }
0x5b: {  	_ =	shalt  }
0x5c: {  	_ =	shalt  }
0x5d: {  	_ =	shalt  }
0x5e: {  	_ =	shalt  }
0x5f: {  	_ =	shalt  }
0x60: {  	_ =	shalt  }
0x61: {  	_ =	shalt  }
0x62: {  	_ =	shalt  }
0x63: {  	_ =	shalt  }
0x64: {  	_ =	shalt  }
0x65: {  	_ =	shalt  }
0x66: {  	_ =	shalt  }
0x67: {  	_ =	shalt  }
0x68: {  	_ =	shalt  }
0x69: {  	_ =	shalt  }
0x6a: {  	_ =	shalt  }
0x6b: {  	_ =	shalt  }
0x6c: {  	_ =	shalt  }
0x6d: {  	_ =	shalt  }
0x6e: {  	_ =	shalt  }
0x6f: {  	_ =	shalt  }
0x70: {  	_ =	shalt  }
0x71: {  	_ =	shalt  }
0x72: {  	_ =	shalt  }
0x73: {  	_ =	shalt  }
0x74: {  	_ =	shalt  }
0x75: {  	_ =	shalt  }
0x76: {  	_ =	shalt  }
0x77: {  	_ =	shalt  }
0x78: {  	_ =	shalt  }
0x79: {  	_ =	shalt  }
0x7a: {  	_ =	shalt  }
0x7b: {  	_ =	shalt  }
0x7c: {  	_ =	shalt  }
0x7d: {  	_ =	shalt  }
0x7e: {  	_ =	shalt  }
0x7f: {  	_ =	shalt  }
0x80: {  	_ =	shalt  }
0x81: {  	_ =	shalt  }
0x82: {  	_ =	shalt  }
0x83: {  	_ =	shalt  }
0x84: {  	_ =	shalt  }
0x85: {  	_ =	shalt  }
0x86: {  	_ =	shalt  }
0x87: {  	_ =	shalt  }
.Lfunc_end0:
.L_simem_size_0:
called_computation_lowered:
.L_overlay_start_0:
0x88: {  	s2 =	sld [smem:$0x3FD9]  }
0x89: {  	s3 =	sld [smem:$0x3FFE];
	_ =	sdelay $0x1  }
0x8a: {  	s1 =	srdreg.scid  }
0x8b: {  	s0 =	sand.u32 $0x1, s1  }
0x8c: {  	s17 =	sshll.u32 s0, $0xA;
	s2 =	sadd.s32 s3, s2  }
0x8d: {  	s2 =	sadd.s32 s2, s17  }
0x8e: {  	[smem:$0x3FC0] =	sst s2  }
0x8f: {  	_ = 	snop  }
0x90: {  	s2 =	sld [smem:$0x3FC9]  }
0x91: {  	s18 =	sld [smem:$0x3FC8]  }
0x92: {  	s4 =	sld [smem:$0x3FD0];
	(tm) =	ssettm $0x1  }
0x93: {  	s5 =	sld [smem:$0x3FFB];
	_ =	sdelay $0x3  }
0x94: {  	_ =	strace s5  }
0x95: {  	s5 =	sld [smem:$0x3FFC];
	_ =	sdelay $0x3  }
0x96: {  	_ =	strace s5  }
0x97: {  	s5 =	sld [smem:$0x3FFD];
	_ =	sdelay $0x3  }
0x98: {  	_ =	strace s5  }
0x99: {  	_ =	strace $0x8FFFFFFF  }
0x9a: {  	s19 =	sld [smem:$0x3FDB];
	_ =	sdelay $0x1  }
0x9b: {  	s6 =	simm.s32 $_scs_section_size  }
0x9c: {  	s7 =	simm.s32 $_size__tile_overlayer_lowered;
	s8 =	simm.s32 $_tile_overlayer_lowered  }
0x9d: {  	s22 =	simm.s32 $0x1BFF;
	s21 =	sshll.u32 s8, $0x1;
	s5 =	sadd.s32 s6, s19  }
0x9e: {  	s9 =	simm.s32 $0x0;
	s20 =	sshll.u32 s7, $0x1;
	s7 =	sadd.s32 s21, s5  }
0x9f: {  	[timem:s9], [sflag:s22] =	dma.local [hbm:s7], s20  }
0xa0: {  	_ =	swait.ge [sflag:s22], s20  }
0xa1: {  	s6 =	ssub.s32 $0x0, s20;
	[sflag:s22] =	ssyncset.done $0x0  }
0xa2: {  	[sflag:s22] =	ssyncadd.s32 s6;
	_ =	sdelay $0x1  }
0xa3: {  	s23 =	simm.s32 $0x1B8B  }
0xa4: {  	_ =	swait.ge [sflag:s23], $0x1  }
0xa5: {  	[sflag:s23] =	ssyncset.done $0x0  }
0xa6: {  	s25 =	simm.s32 $0x1B8E;
	s24 =	sld [smem:$0x3FFE];
	[sflag:s23] =	ssyncadd.s32 $0xFFFFFFFF  }
0xa7: {  	s26 =	simm.s32 $execute0_lowered;
	[smem:$0x3FD2] =	sst s25  }
0xa8: {  	s7 =	sshll.u32 s26, $0x1;
	_ =	strace $0x80000046;
	[dreg:$0x1] =	wrdreg $0xFFFFFFFF  }
0xa9: {  	s28 =	simm.s32 $_size_execute0_lowered;
	s5 =	sadd.s32 s5, s7;
	[dreg:$0x0] =	wrdreg $0x0  }
0xaa: {  	s7 =	sshll.u32 s28, $0x1;
	[dreg:$0x2] =	wrdreg s5  }
0xab: {  	[dreg:$0x3] =	wrdreg s7  }
0xac: {  	[dreg:$0x4] =	wrdreg $0xC0  }
0xad: {  	_ =	task [dreg:s9], $0x5FFFF  }
0xae: {  	[dreg:$0x1] =	wrdreg $0xFFFFFFFF  }
0xaf: {  	[dreg:$0x0] =	wrdreg $0x60  }
0xb0: {  	[dreg:$0x2] =	wrdreg s24  }
0xb1: {  	[dreg:$0x3] =	wrdreg s2  }
0xb2: {  	[dreg:$0x4] =	wrdreg s18  }
0xb3: {  	[dreg:$0x5] =	wrdreg s4  }
0xb4: {  	[dreg:$0x6] =	wrdreg $0x9  }
0xb5: {  	_ =	task.clear_ibuf [dreg:s9], $0x7FFFF;
	_ =	strace $0x90000046  }
0xb6: {  	s29 =	simm.s32 $0x9;
	_ =	strace $0x80000048  }
0xb7: {  	_ =	swait.ge [sflag:s29], $0x1  }
0xb8: {  	[sflag:s29] =	ssyncadd.s32 $0xFFFFFFFF  }
0xb9: {  	_ =	strace $0x90000048  }
0xba: {  	_ =	sfence  }
0xbb: {  	s30 =	sld [smem:$0x0];
	_ =	sdelay $0x2  }
0xbc: {  	s31 =	sshll.u32 s1, $0xD;
	s1 =	sshrl.u32 s1, $0x2  }
0xbd: {  	s3 =	sand.u32 $0x4000, s31;
	s1 =	sadd.s32 s1, s30  }
0xbe: {  	s0 =	sor.u32 s3, s0;
	s1 =	sshll.u32 s1, $0x11  }
0xbf: {  	s0 =	sor.u32 s1, s0  }
0xc0: {  	s0 =	sadd.s32 $0x8F2B, s0  }
0xc1: {  	[sflag:s0] =	ssyncadd.remote.s32 $0x1  }
0xc2: {  	_ =	sfence.sel $0xFFFF  }
0xc3: {  	[dreg:$0x0] =	wrdreg $0xFFFFFFFF;
	(pc) =	sbr.abs _section_cstart, $3  }
0xc4: {  	[dreg:$0x1] =	wrdreg $0xFFFFFFFF  }
0xc5: {  	_ =	task.clear_ibuf [dreg:s9], $0x2FFFF;
	_ =	strace $0x9FFFFFFF  }
0xc6: {  	(tm) =	ssettm $0x7FFFFFFF  }
0xc7: {  	_ =	shalt  }
tec
execute0_lowered:
.L_overlay_start_1:
0x0: {  	(tag) =	ssettag $0x1  }
0x1: {  	s0 =	rddreg [dreg:$0x0]  }
0x2: {  	s5 =	rddreg [dreg:$0x1]  }
0x3: {  	s4 =	rddreg [dreg:$0x2]  }
0x4: {  	s9 =	rddreg [dreg:$0x3];
	s2 =	simm.s32 $0x0  }
0x5: {  	s3 =	srdreg.scid;
	s1 =	stileid.u32;
	s12 =	simm.s32 $0x20000  }
0x6: {  	s13 =	simm.s32 $0x18700;
	s14 =	simm.s32 $0x1B700;
	s15 =	simm.s32 $0x1C700  }
0x7: {  	s16 =	simm.s32 $0x1;
	s17 =	simm.s32 $0x2;
	s18 =	simm.s32 $0x3  }
0x8: {  	s19 =	simm.s32 $0x1D700;
	s20 =	simm.s32 $0x4;
	s21 =	simm.s32 $0x0  }
0x9: {  	[smem:$0x7FF] =	sst s2;
	s3 =	sand.u32 $0x1, s3;
	s7 =	sshll.u32 s1, $0x9  }
0xa: {  	s6 =	ssub.s32 $0x2, s3;
	s3 =	sshll.u32 s3, $0xD;
	_ =	strace $0x80000047  }
0xb: {  	s8 =	sshrl.u32 s6, $0x1;
	s7 =	sor.u32 s7, s3;
	s3 =	sadd.s32 $0x1800, s0  }
0xc: {  	s31 =	ssub.s32 s6, s8;
	s4 =	sadd.s32 s4, s7;
	s5 =	sadd.s32 s5, s7  }
0xd: {  	s10 =	sshrl.u32 s7, $0x3;
	s6 =	sadd.s32 $0x4000, s4;
	s7 =	sadd.s32 $0x8000, s4  }
0xe: {  	s8 =	sadd.s32 $0xC000, s4;
	s9 =	sadd.s32 s9, s10;
	s10 =	smax.u32 s31, $0x1  }
.LBB2_1:
0xf: {  	[tilespmem:s2], [sflag:$0x1] =	stream.linear.gather [hbm4b:s3+s2], $0x18700, $0x38;
	[tilespmem:$0x1D900] =	vst v63  }
0x10: {  	s0 =	simm.s32 $0x1000  }
0x11: {  	[tilespmem:s13], [sflag:$0x1] =	stream.strided.gather [hbm4b:s5+s0], $0x3000, s12, s0, $0x38;
	[tilespmem:$0x1D900] =	vst v63  }
0x12: {  	_ = 	snop  }
0x13: {  	[tilespmem:s14], [sflag:$0x2] =	stream.linear.gather [hbm4b:s4+s2], $0x1000, $0x38;
	[tilespmem:$0x1D900] =	vst v63  }
0x14: {  	_ = 	snop  }
0x15: {  	[tilespmem:s15], [sflag:$0x3] =	stream.linear.gather [hbm4b:s6+s2], $0x1000, $0x38;
	[tilespmem:$0x1D900] =	vst v63  }
0x16: {  	_ =	swait.ge [sflag:s16], $0x18700  }
0x17: {  	[sflag:s16] =	ssyncset.done $0x0  }
0x18: {  	[sflag:s16] =	ssyncadd.s32 $0xFFFE7900  }
0x19: {  	_ =	swait.ge [sflag:s16], $0x3000  }
0x1a: {  	s29 =	sand.u32 $0x70, s2;
	s22 =	sand.u32 $0xC00, s2;
	[sflag:s16] =	ssyncset.done $0x0  }
0x1b: {  	s0 =	sor.u32 s29, s22;
	[sflag:s16] =	ssyncadd.s32 $0xFFFFD000  }
0x1c: {  	v0 =	vld [tilespmem:s0+$0x1A800]  }
0x1d: {  	v1 =	vld [tilespmem:s0+$0x1A880]  }
0x1e: {  	v2 =	vld [tilespmem:s0+$0x1A700]  }
0x1f: {  	v3 =	vld [tilespmem:s0+$0x1A780]  }
0x20: {  	v4 =	vld [tilespmem:s0+$0x19A00]  }
0x21: {  	v5 =	vld [tilespmem:s0+$0x19A80]  }
0x22: {  	v6 =	vld [tilespmem:s0+$0x19900]  }
0x23: {  	v7 =	vld [tilespmem:s0+$0x19980]  }
0x24: {  	v8 =	vld [tilespmem:s0+$0x19800]  }
0x25: {  	v9 =	vld [tilespmem:s0+$0x19880]  }
0x26: {  	v10 =	vld [tilespmem:s0+$0x19700]  }
0x27: {  	v11 =	vld [tilespmem:s0+$0x19780]  }
0x28: {  	s22 =	sadd.s32 $0x18700, s0;
	v12 =	vld [tilespmem:s0+$0x18700]  }
0x29: {  	v13 =	vld [tilespmem:s22+$0x80]  }
0x2a: {  	v14 =	vld [tilespmem:s22+$0x100]  }
0x2b: {  	v15 =	vld [tilespmem:s22+$0x180]  }
0x2c: {  	v16 =	vld [tilespmem:s22+$0x200]  }
0x2d: {  	v17 =	vld [tilespmem:s22+$0x280]  }
0x2e: {  	v18 =	vld [tilespmem:s22+$0x300]  }
0x2f: {  	v19 =	vld [tilespmem:s22+$0x380]  }
0x30: {  	v12 =	vld.idx.msk [tilespmem:v12+s2+$0x0], $0xffff  }
0x31: {  	v13 =	vld.idx.msk [tilespmem:v13+s2+$0x0], $0xffff  }
0x32: {  	v14 =	vld.idx.msk [tilespmem:v14+s2+$0x0], $0xffff  }
0x33: {  	v15 =	vld.idx.msk [tilespmem:v15+s2+$0x0], $0xffff  }
0x34: {  	v16 =	vld.idx.msk [tilespmem:v16+s2+$0x0], $0xffff  }
0x35: {  	v17 =	vld.idx.msk [tilespmem:v17+s2+$0x0], $0xffff  }
0x36: {  	v18 =	vld.idx.msk [tilespmem:v18+s2+$0x0], $0xffff;
	v12 =	vand.u32 $0xFFFF0000, v12;
	v13 =	vand.u32 $0xFFFF0000, v13  }
0x37: {  	v19 =	vld.idx.msk [tilespmem:v19+s2+$0x0], $0xffff;
	v12 =	vadd.f32 $0.0e+00, v12;
	v13 =	vadd.f32 $0.0e+00, v13  }
0x38: {  	v10 =	vld.idx.msk [tilespmem:v10+s2+$0x0], $0xffff;
	v14 =	vand.u32 $0xFFFF0000, v14;
	v15 =	vand.u32 $0xFFFF0000, v15  }
0x39: {  	v11 =	vld.idx.msk [tilespmem:v11+s2+$0x0], $0xffff;
	v12 =	vadd.f32 v14, v12;
	v13 =	vadd.f32 v15, v13  }
0x3a: {  	v8 =	vld.idx.msk [tilespmem:v8+s2+$0x0], $0xffff;
	v60 =	vand.u32 $0xFFFF0000, v16;
	v61 =	vand.u32 $0xFFFF0000, v17  }
0x3b: {  	v9 =	vld.idx.msk [tilespmem:v9+s2+$0x0], $0xffff;
	v12 =	vadd.f32 v60, v12;
	v13 =	vadd.f32 v61, v13  }
0x3c: {  	v6 =	vld.idx.msk [tilespmem:v6+s2+$0x0], $0xffff;
	v62 =	vand.u32 $0xFFFF0000, v18;
	v63 =	vand.u32 $0xFFFF0000, v19  }
0x3d: {  	v7 =	vld.idx.msk [tilespmem:v7+s2+$0x0], $0xffff;
	v12 =	vadd.f32 v62, v12;
	v13 =	vadd.f32 v63, v13  }
0x3e: {  	v4 =	vld.idx.msk [tilespmem:v4+s2+$0x0], $0xffff;
	v10 =	vand.u32 $0xFFFF0000, v10;
	v11 =	vand.u32 $0xFFFF0000, v11  }
0x3f: {  	v5 =	vld.idx.msk [tilespmem:v5+s2+$0x0], $0xffff;
	v10 =	vadd.f32 v10, v12;
	v11 =	vadd.f32 v11, v13  }
0x40: {  	v2 =	vld.idx.msk [tilespmem:v2+s2+$0x0], $0xffff;
	v8 =	vand.u32 $0xFFFF0000, v8;
	v9 =	vand.u32 $0xFFFF0000, v9  }
0x41: {  	v3 =	vld.idx.msk [tilespmem:v3+s2+$0x0], $0xffff;
	v8 =	vadd.f32 v8, v10;
	v9 =	vadd.f32 v9, v11  }
0x42: {  	v0 =	vld.idx.msk [tilespmem:v0+s2+$0x0], $0xffff;
	v6 =	vand.u32 $0xFFFF0000, v6;
	v7 =	vand.u32 $0xFFFF0000, v7  }
0x43: {  	v1 =	vld.idx.msk [tilespmem:v1+s2+$0x0], $0xffff;
	v6 =	vadd.f32 v6, v8;
	v7 =	vadd.f32 v7, v9  }
0x44: {  	v4 =	vand.u32 $0xFFFF0000, v4;
	v5 =	vand.u32 $0xFFFF0000, v5  }
0x45: {  	v4 =	vadd.f32 v4, v6;
	v5 =	vadd.f32 v5, v7  }
0x46: {  	v2 =	vand.u32 $0xFFFF0000, v2;
	v3 =	vand.u32 $0xFFFF0000, v3  }
0x47: {  	v2 =	vadd.f32 v2, v4;
	v3 =	vadd.f32 v3, v5  }
0x48: {  	v0 =	vand.u32 $0xFFFF0000, v0;
	v1 =	vand.u32 $0xFFFF0000, v1  }
0x49: {  	v0 =	vadd.f32 v0, v2;
	v1 =	vadd.f32 v1, v3;
	_ =	sdelay $0x1  }
0x4a: {  	s30 =	simm.s32 $0x10;
	s24 =	simm.s32 $0x80;
	v0 =	vadd.f32 v1, v0  }
0x4b: {  	s31 =	sand.u32 $0xC00, s24;
	s0 =	sand.u32 $0x70, s30  }
0x4c: {  	s26 =	sor.u32 s0, s31;
	[tilespmem:s19+$0x0] =	vst v0  }
0x4d: {  	v1 =	vld [tilespmem:s26+$0x1A800]  }
0x4e: {  	v0 =	vld [tilespmem:s26+$0x1A880]  }
0x4f: {  	v3 =	vld [tilespmem:s26+$0x1A700]  }
0x50: {  	v2 =	vld [tilespmem:s26+$0x1A780]  }
0x51: {  	v5 =	vld [tilespmem:s26+$0x19A00]  }
0x52: {  	v4 =	vld [tilespmem:s26+$0x19A80]  }
0x53: {  	v7 =	vld [tilespmem:s26+$0x19900]  }
0x54: {  	v6 =	vld [tilespmem:s26+$0x19980]  }
0x55: {  	v9 =	vld [tilespmem:s26+$0x19800]  }
0x56: {  	v8 =	vld [tilespmem:s26+$0x19880]  }
0x57: {  	s25 =	simm.s32 $0x20;
	s23 =	simm.s32 $0x1D700;
	v10 =	vld [tilespmem:s26+$0x19700]  }
.LBB2_2:
0x58: {  	p0 =	sne.s32 s25, $0x1F0;
	v11 =	vld [tilespmem:s26+$0x19780]  }
0x59: {  	s0 =	sadd.s32 $0x18700, s26;
	v12 =	vld [tilespmem:s26+$0x18700]  }
0x5a: {  	v13 =	vld [tilespmem:s0+$0x80]  }
0x5b: {  	v14 =	vld [tilespmem:s0+$0x100]  }
0x5c: {  	v15 =	vld [tilespmem:s0+$0x180]  }
0x5d: {  	v16 =	vld [tilespmem:s0+$0x200]  }
0x5e: {  	v17 =	vld [tilespmem:s0+$0x280]  }
0x5f: {  	v18 =	vld [tilespmem:s0+$0x300]  }
0x60: {  	s22 =	simm.s32 $0x0;
	v19 =	vld [tilespmem:s0+$0x380]  }
0x61: {  	v12 =	vld.idx.msk [tilespmem:v12+s22+$0x0], $0xffff  }
0x62: {  	v13 =	vld.idx.msk [tilespmem:v13+s22+$0x0], $0xffff  }
0x63: {  	v14 =	vld.idx.msk [tilespmem:v14+s22+$0x0], $0xffff  }
0x64: {  	v15 =	vld.idx.msk [tilespmem:v15+s22+$0x0], $0xffff  }
0x65: {  	v16 =	vld.idx.msk [tilespmem:v16+s22+$0x0], $0xffff  }
0x66: {  	v17 =	vld.idx.msk [tilespmem:v17+s22+$0x0], $0xffff  }
0x67: {  	v18 =	vld.idx.msk [tilespmem:v18+s22+$0x0], $0xffff  }
0x68: {  	v12 =	vand.u32 $0xFFFF0000, v12;
	v13 =	vand.u32 $0xFFFF0000, v13;
	v19 =	vld.idx.msk [tilespmem:v19+s22+$0x0], $0xffff  }
0x69: {  	v12 =	vadd.f32 $0.0e+00, v12;
	v13 =	vadd.f32 $0.0e+00, v13;
	v10 =	vld.idx.msk [tilespmem:v10+s22+$0x0], $0xffff  }
0x6a: {  	v14 =	vand.u32 $0xFFFF0000, v14;
	v15 =	vand.u32 $0xFFFF0000, v15;
	v11 =	vld.idx.msk [tilespmem:v11+s22+$0x0], $0xffff  }
0x6b: {  	v12 =	vadd.f32 v14, v12;
	v13 =	vadd.f32 v15, v13;
	v9 =	vld.idx.msk [tilespmem:v9+s22+$0x0], $0xffff  }
0x6c: {  	v14 =	vand.u32 $0xFFFF0000, v16;
	v15 =	vand.u32 $0xFFFF0000, v17;
	v8 =	vld.idx.msk [tilespmem:v8+s22+$0x0], $0xffff  }
0x6d: {  	v12 =	vadd.f32 v14, v12;
	v13 =	vadd.f32 v15, v13;
	v7 =	vld.idx.msk [tilespmem:v7+s22+$0x0], $0xffff  }
0x6e: {  	v14 =	vand.u32 $0xFFFF0000, v18;
	v15 =	vand.u32 $0xFFFF0000, v19;
	v6 =	vld.idx.msk [tilespmem:v6+s22+$0x0], $0xffff  }
0x6f: {  	v12 =	vadd.f32 v14, v12;
	v13 =	vadd.f32 v15, v13;
	v5 =	vld.idx.msk [tilespmem:v5+s22+$0x0], $0xffff  }
0x70: {  	v10 =	vand.u32 $0xFFFF0000, v10;
	v11 =	vand.u32 $0xFFFF0000, v11;
	v4 =	vld.idx.msk [tilespmem:v4+s22+$0x0], $0xffff  }
0x71: {  	v10 =	vadd.f32 v10, v12;
	v11 =	vadd.f32 v11, v13;
	v3 =	vld.idx.msk [tilespmem:v3+s22+$0x0], $0xffff  }
0x72: {  	v9 =	vand.u32 $0xFFFF0000, v9;
	v8 =	vand.u32 $0xFFFF0000, v8;
	v2 =	vld.idx.msk [tilespmem:v2+s22+$0x0], $0xffff  }
0x73: {  	v9 =	vadd.f32 v9, v10;
	v8 =	vadd.f32 v8, v11;
	v1 =	vld.idx.msk [tilespmem:v1+s22+$0x0], $0xffff  }
0x74: {  	v7 =	vand.u32 $0xFFFF0000, v7;
	v6 =	vand.u32 $0xFFFF0000, v6;
	v0 =	vld.idx.msk [tilespmem:v0+s22+$0x0], $0xffff  }
0x75: {  	v7 =	vadd.f32 v7, v9;
	v6 =	vadd.f32 v6, v8  }
0x76: {  	v5 =	vand.u32 $0xFFFF0000, v5;
	v4 =	vand.u32 $0xFFFF0000, v4  }
0x77: {  	v5 =	vadd.f32 v5, v7;
	v4 =	vadd.f32 v4, v6  }
0x78: {  	v3 =	vand.u32 $0xFFFF0000, v3;
	v2 =	vand.u32 $0xFFFF0000, v2  }
0x79: {  	v3 =	vadd.f32 v3, v5;
	v2 =	vadd.f32 v2, v4  }
0x7a: {  	v1 =	vand.u32 $0xFFFF0000, v1;
	v0 =	vand.u32 $0xFFFF0000, v0  }
0x7b: {  	v1 =	vadd.f32 v1, v3;
	v0 =	vadd.f32 v0, v2;
	_ =	sdelay $0x1  }
0x7c: {  	s24 =	sadd.s32 $0x80, s24;
	v0 =	vadd.f32 v0, v1  }
0x7d: {  	s23 =	sadd.s32 $0x10, s23;
	s26 =	sand.u32 $0xC00, s24;
	s0 =	sand.u32 $0x70, s25  }
0x7e: {  	s26 =	sor.u32 s0, s26;
	[tilespmem:s23+$0x0] =	vst v0  }
0x7f: {  	v1 =	vld [tilespmem:s26+$0x1A800]  }
0x80: {  	v0 =	vld [tilespmem:s26+$0x1A880]  }
0x81: {  	v3 =	vld [tilespmem:s26+$0x1A700]  }
0x82: {  	v2 =	vld [tilespmem:s26+$0x1A780]  }
0x83: {  	v5 =	vld [tilespmem:s26+$0x19A00]  }
0x84: {  	v4 =	vld [tilespmem:s26+$0x19A80]  }
.Ltmp0:
0x85: {  	v7 =	vld [tilespmem:s26+$0x19900];
	(pc) =	sbr.rel @p0 .LBB2_2-.Ltmp0, $4  }
0x86: {  	v6 =	vld [tilespmem:s26+$0x19980]  }
0x87: {  	v9 =	vld [tilespmem:s26+$0x19800]  }
0x88: {  	v8 =	vld [tilespmem:s26+$0x19880]  }
0x89: {  	s25 =	sadd.s32 $0x10, s25;
	v10 =	vld [tilespmem:s26+$0x19700]  }
0x8a: {  	v11 =	vld [tilespmem:s26+$0x19780]  }
0x8b: {  	s0 =	sadd.s32 $0x18700, s26;
	v12 =	vld [tilespmem:s26+$0x18700]  }
0x8c: {  	v13 =	vld [tilespmem:s0+$0x80]  }
0x8d: {  	v14 =	vld [tilespmem:s0+$0x100]  }
0x8e: {  	v15 =	vld [tilespmem:s0+$0x180]  }
0x8f: {  	v16 =	vld [tilespmem:s0+$0x200]  }
0x90: {  	v17 =	vld [tilespmem:s0+$0x280]  }
0x91: {  	v18 =	vld [tilespmem:s0+$0x300]  }
0x92: {  	v19 =	vld [tilespmem:s0+$0x380]  }
0x93: {  	v12 =	vld.idx.msk [tilespmem:v12+s22+$0x0], $0xffff  }
0x94: {  	v13 =	vld.idx.msk [tilespmem:v13+s22+$0x0], $0xffff  }
0x95: {  	v14 =	vld.idx.msk [tilespmem:v14+s22+$0x0], $0xffff  }
0x96: {  	v15 =	vld.idx.msk [tilespmem:v15+s22+$0x0], $0xffff  }
0x97: {  	v16 =	vld.idx.msk [tilespmem:v16+s22+$0x0], $0xffff  }
0x98: {  	v17 =	vld.idx.msk [tilespmem:v17+s22+$0x0], $0xffff  }
0x99: {  	v18 =	vld.idx.msk [tilespmem:v18+s22+$0x0], $0xffff;
	v12 =	vand.u32 $0xFFFF0000, v12;
	v13 =	vand.u32 $0xFFFF0000, v13  }
0x9a: {  	v19 =	vld.idx.msk [tilespmem:v19+s22+$0x0], $0xffff;
	v12 =	vadd.f32 $0.0e+00, v12;
	v13 =	vadd.f32 $0.0e+00, v13  }
0x9b: {  	v10 =	vld.idx.msk [tilespmem:v10+s22+$0x0], $0xffff;
	v14 =	vand.u32 $0xFFFF0000, v14;
	v15 =	vand.u32 $0xFFFF0000, v15  }
0x9c: {  	v11 =	vld.idx.msk [tilespmem:v11+s22+$0x0], $0xffff;
	v12 =	vadd.f32 v14, v12;
	v13 =	vadd.f32 v15, v13  }
0x9d: {  	v9 =	vld.idx.msk [tilespmem:v9+s22+$0x0], $0xffff;
	v60 =	vand.u32 $0xFFFF0000, v16;
	v61 =	vand.u32 $0xFFFF0000, v17  }
0x9e: {  	v8 =	vld.idx.msk [tilespmem:v8+s22+$0x0], $0xffff;
	v12 =	vadd.f32 v60, v12;
	v13 =	vadd.f32 v61, v13  }
0x9f: {  	v7 =	vld.idx.msk [tilespmem:v7+s22+$0x0], $0xffff;
	v62 =	vand.u32 $0xFFFF0000, v18;
	v63 =	vand.u32 $0xFFFF0000, v19  }
0xa0: {  	v6 =	vld.idx.msk [tilespmem:v6+s22+$0x0], $0xffff;
	v12 =	vadd.f32 v62, v12;
	v13 =	vadd.f32 v63, v13  }
0xa1: {  	v5 =	vld.idx.msk [tilespmem:v5+s22+$0x0], $0xffff;
	v10 =	vand.u32 $0xFFFF0000, v10;
	v11 =	vand.u32 $0xFFFF0000, v11  }
0xa2: {  	v4 =	vld.idx.msk [tilespmem:v4+s22+$0x0], $0xffff;
	v10 =	vadd.f32 v10, v12;
	v11 =	vadd.f32 v11, v13  }
0xa3: {  	v3 =	vld.idx.msk [tilespmem:v3+s22+$0x0], $0xffff;
	v9 =	vand.u32 $0xFFFF0000, v9;
	v8 =	vand.u32 $0xFFFF0000, v8  }
0xa4: {  	v2 =	vld.idx.msk [tilespmem:v2+s22+$0x0], $0xffff;
	v9 =	vadd.f32 v9, v10;
	v8 =	vadd.f32 v8, v11  }
0xa5: {  	v1 =	vld.idx.msk [tilespmem:v1+s22+$0x0], $0xffff;
	v7 =	vand.u32 $0xFFFF0000, v7;
	v6 =	vand.u32 $0xFFFF0000, v6  }
0xa6: {  	v0 =	vld.idx.msk [tilespmem:v0+s22+$0x0], $0xffff;
	v7 =	vadd.f32 v7, v9;
	v6 =	vadd.f32 v6, v8  }
0xa7: {  	v5 =	vand.u32 $0xFFFF0000, v5;
	v4 =	vand.u32 $0xFFFF0000, v4  }
0xa8: {  	v5 =	vadd.f32 v5, v7;
	v4 =	vadd.f32 v4, v6  }
0xa9: {  	v3 =	vand.u32 $0xFFFF0000, v3;
	v2 =	vand.u32 $0xFFFF0000, v2  }
0xaa: {  	v3 =	vadd.f32 v3, v5;
	v2 =	vadd.f32 v2, v4  }
0xab: {  	v1 =	vand.u32 $0xFFFF0000, v1;
	v0 =	vand.u32 $0xFFFF0000, v0  }
0xac: {  	v1 =	vadd.f32 v1, v3;
	v0 =	vadd.f32 v0, v2;
	_ =	sdelay $0x1  }
0xad: {  	v0 =	vadd.f32 v0, v1  }
0xae: {  	s31 =	sadd.s32 $0x10, s23  }
0xaf: {  	s23 =	simm.s32 $0x0;
	[tilespmem:s31+$0x0] =	vst v0  }
.LBB2_4:
0xb0: {  	_ =	swait.ge [sflag:s17], $0x1000;
	s0 =	sand.u32 $0xC00, s22  }
0xb1: {  	s25 =	sand.u32 $0x60, s22;
	[sflag:s17] =	ssyncset.done $0x0;
	s0 =	sadd.s32 $0x1B700, s0  }
0xb2: {  	[sflag:s17] =	ssyncadd.s32 $0xFFFFF000;
	s24 =	sor.u32 s25, s0  }
0xb3: {  	v0 =	vld [tilespmem:s24+$0x0]  }
0xb4: {  	v1 =	vld [tilespmem:s24+$0x80]  }
0xb5: {  	v2 =	vld [tilespmem:s24+$0x100]  }
0xb6: {  	v3 =	vld [tilespmem:s24+$0x180]  }
0xb7: {  	v4 =	vld [tilespmem:s24+$0x200]  }
0xb8: {  	v5 =	vld [tilespmem:s24+$0x280]  }
0xb9: {  	v6 =	vld [tilespmem:s24+$0x380]  }
0xba: {  	v7 =	vld [tilespmem:s24+$0x300]  }
0xbb: {  	v0 =	vld.idx.msk [tilespmem:v0+s2+$0x0], $0xffff  }
0xbc: {  	v1 =	vld.idx.msk [tilespmem:v1+s2+$0x0], $0xffff  }
0xbd: {  	v2 =	vld.idx.msk [tilespmem:v2+s2+$0x0], $0xffff  }
0xbe: {  	v3 =	vld.idx.msk [tilespmem:v3+s2+$0x0], $0xffff  }
0xbf: {  	v4 =	vld.idx.msk [tilespmem:v4+s2+$0x0], $0xffff  }
0xc0: {  	v5 =	vld.idx.msk [tilespmem:v5+s2+$0x0], $0xffff  }
0xc1: {  	v6 =	vld.idx.msk [tilespmem:v6+s2+$0x0], $0xffff;
	v0 =	vshll.u32 v0, $0x10;
	v1 =	vshll.u32 v1, $0x10  }
0xc2: {  	v7 =	vld.idx.msk [tilespmem:v7+s2+$0x0], $0xffff;
	v0 =	vadd.f32 $0.0e+00, v0;
	v1 =	vadd.f32 $0.0e+00, v1  }
0xc3: {  	v2 =	vshll.u32 v2, $0x10;
	v3 =	vshll.u32 v3, $0x10  }
0xc4: {  	v0 =	vadd.f32 v2, v0;
	v1 =	vadd.f32 v3, v1  }
0xc5: {  	v2 =	vshll.u32 v4, $0x10;
	v3 =	vshll.u32 v5, $0x10  }
0xc6: {  	s24 =	simm.s32 $0x1D700;
	v0 =	vadd.f32 v2, v0;
	v1 =	vadd.f32 v3, v1  }
0xc7: {  	v59 =	vld [tilespmem:s24+$0x0];
	v2 =	vshll.u32 v7, $0x10;
	v3 =	vshll.u32 v6, $0x10  }
0xc8: {  	v0 =	vadd.f32 v2, v0;
	v1 =	vadd.f32 v3, v1;
	_ =	sdelay $0x1  }
0xc9: {  	v0 =	vadd.f32 v1, v0;
	_ =	sdelay $0x1  }
0xca: {  	v0 =	vadd.f32 v0, v59  }
0xcb: {  	s25 =	sor.u32 $0x10, s25  }
0xcc: {  	s0 =	sor.u32 s25, s0;
	[tilespmem:s24+$0x0] =	vst v0  }
0xcd: {  	v0 =	vld [tilespmem:s0+$0x0]  }
0xce: {  	v1 =	vld [tilespmem:s0+$0x80]  }
0xcf: {  	v2 =	vld [tilespmem:s0+$0x100]  }
0xd0: {  	v3 =	vld [tilespmem:s0+$0x180]  }
0xd1: {  	v60 =	vld [tilespmem:s0+$0x200]  }
0xd2: {  	v61 =	vld [tilespmem:s0+$0x280]  }
0xd3: {  	v63 =	vld [tilespmem:s0+$0x300]  }
0xd4: {  	v62 =	vld [tilespmem:s0+$0x380]  }
0xd5: {  	v0 =	vld.idx.msk [tilespmem:v0+s2+$0x0], $0xffff  }
0xd6: {  	v1 =	vld.idx.msk [tilespmem:v1+s2+$0x0], $0xffff  }
0xd7: {  	v2 =	vld.idx.msk [tilespmem:v2+s2+$0x0], $0xffff  }
0xd8: {  	v3 =	vld.idx.msk [tilespmem:v3+s2+$0x0], $0xffff  }
0xd9: {  	v4 =	vld.idx.msk [tilespmem:v60+s2+$0x0], $0xffff  }
0xda: {  	v5 =	vld.idx.msk [tilespmem:v61+s2+$0x0], $0xffff;
	v0 =	vshll.u32 v0, $0x10  }
0xdb: {  	v7 =	vld.idx.msk [tilespmem:v63+s2+$0x0], $0xffff;
	v1 =	vshll.u32 v1, $0x10;
	v0 =	vadd.f32 $0.0e+00, v0  }
0xdc: {  	v6 =	vld.idx.msk [tilespmem:v62+s2+$0x0], $0xffff;
	v2 =	vshll.u32 v2, $0x10;
	v1 =	vadd.f32 $0.0e+00, v1  }
0xdd: {  	v3 =	vshll.u32 v3, $0x10;
	v0 =	vadd.f32 v2, v0  }
0xde: {  	v1 =	vadd.f32 v3, v1;
	v2 =	vshll.u32 v4, $0x10  }
0xdf: {  	s31 =	sand.u32 $0x180, s22;
	p0 =	por $0x1, $0x1;
	v3 =	vshll.u32 v5, $0x10;
	v0 =	vadd.f32 v2, v0  }
.Ltmp1:
0xe0: {  	s0 =	sor.u32 s25, s31;
	v1 =	vadd.f32 v3, v1;
	v2 =	vshll.u32 v7, $0x10;
	(pc) =	sbr.rel @!p0 .LBB2_6-.Ltmp1, $3  }
0xe1: {  	v3 =	vshll.u32 v6, $0x10;
	v2 =	vadd.f32 v2, v0;
	v0 =	vld [tilespmem:s0+$0x1D700]  }
0xe2: {  	v1 =	vadd.f32 v3, v1;
	_ =	sdelay $0x1  }
0xe3: {  	s26 =	simm.s32 $0x0;
	s28 =	simm.s32 $0x1D700;
	s25 =	simm.s32 $0x20;
	v1 =	vadd.f32 v1, v2  }
.LBB2_5:
0xe4: {  	p0 =	sne.s32 s25, $0x1E0;
	s26 =	sadd.s32 $0x100, s26;
	s28 =	sadd.s32 $0x20, s28  }
0xe5: {  	s29 =	smov.u32 s25;
	s25 =	sadd.s32 $0x20, s25;
	s30 =	sand.u32 $0xC00, s26;
	v0 =	vadd.f32 v1, v0  }
0xe6: {  	s1 =	sand.u32 $0x60, s29;
	s31 =	sadd.s32 $0x1B700, s30  }
0xe7: {  	s30 =	sor.u32 $0x10, s1;
	s11 =	sor.u32 s1, s31;
	[tilespmem:s0+$0x1D700] =	vst v0  }
0xe8: {  	v0 =	vld [tilespmem:s11+$0x180]  }
0xe9: {  	v1 =	vld [tilespmem:s11+$0x0]  }
0xea: {  	v2 =	vld [tilespmem:s11+$0x80]  }
0xeb: {  	v3 =	vld [tilespmem:s11+$0x100];
	_ =	sdelay $0x1  }
0xec: {  	v4 =	vld [tilespmem:s11+$0x200]  }
0xed: {  	v5 =	vld [tilespmem:s11+$0x280]  }
0xee: {  	v6 =	vld [tilespmem:s11+$0x380]  }
0xef: {  	v7 =	vld [tilespmem:s11+$0x300]  }
0xf0: {  	v1 =	vld.idx.msk [tilespmem:v1+s2+$0x0], $0xffff  }
0xf1: {  	v2 =	vld.idx.msk [tilespmem:v2+s2+$0x0], $0xffff  }
0xf2: {  	v3 =	vld.idx.msk [tilespmem:v3+s2+$0x0], $0xffff  }
0xf3: {  	v0 =	vld.idx.msk [tilespmem:v0+s2+$0x0], $0xffff  }
0xf4: {  	v4 =	vld.idx.msk [tilespmem:v4+s2+$0x0], $0xffff  }
0xf5: {  	v5 =	vld.idx.msk [tilespmem:v5+s2+$0x0], $0xffff  }
0xf6: {  	v1 =	vshll.u32 v1, $0x10;
	v6 =	vld.idx.msk [tilespmem:v6+s2+$0x0], $0xffff  }
0xf7: {  	v1 =	vadd.f32 $0.0e+00, v1;
	v2 =	vshll.u32 v2, $0x10;
	v7 =	vld.idx.msk [tilespmem:v7+s2+$0x0], $0xffff  }
0xf8: {  	v2 =	vadd.f32 $0.0e+00, v2;
	v3 =	vshll.u32 v3, $0x10  }
0xf9: {  	v1 =	vadd.f32 v3, v1;
	v0 =	vshll.u32 v0, $0x10  }
0xfa: {  	v0 =	vadd.f32 v0, v2;
	v2 =	vshll.u32 v4, $0x10  }
0xfb: {  	v1 =	vadd.f32 v2, v1;
	v2 =	vshll.u32 v5, $0x10  }
0xfc: {  	v0 =	vadd.f32 v2, v0  }
0xfd: {  	v3 =	vshll.u32 v6, $0x10;
	v2 =	vshll.u32 v7, $0x10;
	v4 =	vld [tilespmem:s28+$0x0]  }
0xfe: {  	v1 =	vadd.f32 v2, v1;
	v0 =	vadd.f32 v3, v0;
	_ =	sdelay $0x1  }
0xff: {  	v0 =	vadd.f32 v0, v1;
	_ =	sdelay $0x1  }
0x100: {  	v0 =	vadd.f32 v0, v4;
	_ =	sdelay $0x1  }
0x101: {  	s0 =	sor.u32 s30, s31;
	[tilespmem:s28+$0x0] =	vst v0  }
0x102: {  	v0 =	vld [tilespmem:s0+$0x0]  }
0x103: {  	v1 =	vld [tilespmem:s0+$0x80]  }
0x104: {  	v2 =	vld [tilespmem:s0+$0x100]  }
0x105: {  	v3 =	vld [tilespmem:s0+$0x180]  }
0x106: {  	v4 =	vld [tilespmem:s0+$0x200]  }
0x107: {  	v5 =	vld [tilespmem:s0+$0x280]  }
0x108: {  	v6 =	vld [tilespmem:s0+$0x380]  }
0x109: {  	v7 =	vld [tilespmem:s0+$0x300]  }
0x10a: {  	v0 =	vld.idx.msk [tilespmem:v0+s2+$0x0], $0xffff  }
0x10b: {  	v1 =	vld.idx.msk [tilespmem:v1+s2+$0x0], $0xffff  }
0x10c: {  	v2 =	vld.idx.msk [tilespmem:v2+s2+$0x0], $0xffff  }
0x10d: {  	v3 =	vld.idx.msk [tilespmem:v3+s2+$0x0], $0xffff  }
0x10e: {  	v4 =	vld.idx.msk [tilespmem:v4+s2+$0x0], $0xffff  }
0x10f: {  	v5 =	vld.idx.msk [tilespmem:v5+s2+$0x0], $0xffff  }
0x110: {  	v0 =	vshll.u32 v0, $0x10;
	v6 =	vld.idx.msk [tilespmem:v6+s2+$0x0], $0xffff  }
0x111: {  	v0 =	vadd.f32 $0.0e+00, v0;
	v1 =	vshll.u32 v1, $0x10;
	v7 =	vld.idx.msk [tilespmem:v7+s2+$0x0], $0xffff  }
0x112: {  	v1 =	vadd.f32 $0.0e+00, v1;
	v2 =	vshll.u32 v2, $0x10  }
0x113: {  	v0 =	vadd.f32 v2, v0;
	v2 =	vshll.u32 v3, $0x10  }
0x114: {  	v1 =	vadd.f32 v2, v1;
	v2 =	vshll.u32 v4, $0x10  }
0x115: {  	s0 =	sand.u32 $0x180, s29;
	v2 =	vadd.f32 v2, v0;
	v0 =	vshll.u32 v5, $0x10  }
.Ltmp2:
0x116: {  	s0 =	sor.u32 s30, s0;
	v1 =	vadd.f32 v0, v1;
	(pc) =	sbr.rel @p0 .LBB2_5-.Ltmp2, $3  }
0x117: {  	v4 =	vshll.u32 v6, $0x10;
	v3 =	vshll.u32 v7, $0x10;
	v0 =	vld [tilespmem:s0+$0x1D700]  }
0x118: {  	v2 =	vadd.f32 v3, v2;
	v1 =	vadd.f32 v4, v1;
	_ =	sdelay $0x1  }
0x119: {  	v1 =	vadd.f32 v1, v2  }
.LBB2_6:
0x11a: {  	_ = 	snop  }
0x11b: {  	v0 =	vadd.f32 v1, v0  }
0x11c: {  	s25 =	sshll.u32 s23, $0xF  }
0x11d: {  	s26 =	simm.s32 $0x0;
	s29 =	sadd.s32 s25, s7;
	[tilespmem:s0+$0x1D700] =	vst v0  }
0x11e: {  	[tilespmem:s14], [sflag:$0x2] =	stream.linear.gather [hbm4b:s29+s26], $0x1000, $0x38;
	[tilespmem:$0x1D900] =	vst v63  }
0x11f: {  	s30 =	sand.u32 $0xC00, s26;
	_ =	swait.ge [sflag:s18], $0x1000  }
0x120: {  	s1 =	sand.u32 $0x60, s26;
	s0 =	sadd.s32 $0x1C700, s30;
	[sflag:s18] =	ssyncset.done $0x0  }
0x121: {  	s11 =	sor.u32 s1, s0;
	[sflag:s18] =	ssyncadd.s32 $0xFFFFF000  }
0x122: {  	v0 =	vld [tilespmem:s11+$0x0]  }
0x123: {  	v1 =	vld [tilespmem:s11+$0x80]  }
0x124: {  	v2 =	vld [tilespmem:s11+$0x100]  }
0x125: {  	v3 =	vld [tilespmem:s11+$0x180]  }
0x126: {  	v4 =	vld [tilespmem:s11+$0x200]  }
0x127: {  	v5 =	vld [tilespmem:s11+$0x280]  }
0x128: {  	v6 =	vld [tilespmem:s11+$0x380]  }
0x129: {  	v7 =	vld [tilespmem:s11+$0x300]  }
0x12a: {  	v0 =	vld.idx.msk [tilespmem:v0+s2+$0x0], $0xffff  }
0x12b: {  	v1 =	vld.idx.msk [tilespmem:v1+s2+$0x0], $0xffff  }
0x12c: {  	v2 =	vld.idx.msk [tilespmem:v2+s2+$0x0], $0xffff  }
0x12d: {  	v3 =	vld.idx.msk [tilespmem:v3+s2+$0x0], $0xffff  }
0x12e: {  	v4 =	vld.idx.msk [tilespmem:v4+s2+$0x0], $0xffff  }
0x12f: {  	v5 =	vld.idx.msk [tilespmem:v5+s2+$0x0], $0xffff  }
0x130: {  	v6 =	vld.idx.msk [tilespmem:v6+s2+$0x0], $0xffff;
	v0 =	vshll.u32 v0, $0x10;
	v1 =	vshll.u32 v1, $0x10  }
0x131: {  	v7 =	vld.idx.msk [tilespmem:v7+s2+$0x0], $0xffff;
	v0 =	vadd.f32 $0.0e+00, v0;
	v1 =	vadd.f32 $0.0e+00, v1  }
0x132: {  	v2 =	vshll.u32 v2, $0x10;
	v3 =	vshll.u32 v3, $0x10  }
0x133: {  	v0 =	vadd.f32 v2, v0;
	v1 =	vadd.f32 v3, v1  }
0x134: {  	v2 =	vshll.u32 v4, $0x10;
	v3 =	vshll.u32 v5, $0x10  }
0x135: {  	v0 =	vadd.f32 v2, v0;
	v1 =	vadd.f32 v3, v1  }
0x136: {  	v59 =	vld [tilespmem:s24+$0x0];
	v2 =	vshll.u32 v7, $0x10;
	v3 =	vshll.u32 v6, $0x10  }
0x137: {  	v0 =	vadd.f32 v2, v0;
	v1 =	vadd.f32 v3, v1;
	_ =	sdelay $0x1  }
0x138: {  	v0 =	vadd.f32 v1, v0;
	_ =	sdelay $0x1  }
0x139: {  	v0 =	vadd.f32 v0, v59  }
0x13a: {  	s1 =	sor.u32 $0x10, s1  }
0x13b: {  	s0 =	sor.u32 s1, s0;
	[tilespmem:s24+$0x0] =	vst v0  }
0x13c: {  	v0 =	vld [tilespmem:s0+$0x0]  }
0x13d: {  	v1 =	vld [tilespmem:s0+$0x80]  }
0x13e: {  	v2 =	vld [tilespmem:s0+$0x100]  }
0x13f: {  	v3 =	vld [tilespmem:s0+$0x180]  }
0x140: {  	v60 =	vld [tilespmem:s0+$0x200]  }
0x141: {  	v61 =	vld [tilespmem:s0+$0x280]  }
0x142: {  	v63 =	vld [tilespmem:s0+$0x300]  }
0x143: {  	v62 =	vld [tilespmem:s0+$0x380]  }
0x144: {  	v0 =	vld.idx.msk [tilespmem:v0+s2+$0x0], $0xffff  }
0x145: {  	v1 =	vld.idx.msk [tilespmem:v1+s2+$0x0], $0xffff  }
0x146: {  	v2 =	vld.idx.msk [tilespmem:v2+s2+$0x0], $0xffff  }
0x147: {  	v3 =	vld.idx.msk [tilespmem:v3+s2+$0x0], $0xffff  }
0x148: {  	v4 =	vld.idx.msk [tilespmem:v60+s2+$0x0], $0xffff  }
0x149: {  	v5 =	vld.idx.msk [tilespmem:v61+s2+$0x0], $0xffff;
	v0 =	vshll.u32 v0, $0x10  }
0x14a: {  	v7 =	vld.idx.msk [tilespmem:v63+s2+$0x0], $0xffff;
	v1 =	vshll.u32 v1, $0x10;
	v0 =	vadd.f32 $0.0e+00, v0  }
0x14b: {  	v6 =	vld.idx.msk [tilespmem:v62+s2+$0x0], $0xffff;
	v2 =	vshll.u32 v2, $0x10;
	v1 =	vadd.f32 $0.0e+00, v1  }
0x14c: {  	v3 =	vshll.u32 v3, $0x10;
	v0 =	vadd.f32 v2, v0  }
0x14d: {  	v1 =	vadd.f32 v3, v1;
	v2 =	vshll.u32 v4, $0x10  }
0x14e: {  	s31 =	sand.u32 $0x180, s26;
	v3 =	vshll.u32 v5, $0x10;
	v0 =	vadd.f32 v2, v0  }
0x14f: {  	s0 =	sor.u32 s1, s31;
	v1 =	vadd.f32 v3, v1;
	v2 =	vshll.u32 v7, $0x10  }
0x150: {  	v3 =	vshll.u32 v6, $0x10;
	v2 =	vadd.f32 v2, v0;
	v0 =	vld [tilespmem:s0+$0x1D700]  }
0x151: {  	v1 =	vadd.f32 v3, v1;
	_ =	sdelay $0x1  }
0x152: {  	s28 =	simm.s32 $0x20;
	v1 =	vadd.f32 v1, v2  }
.LBB2_7:
0x153: {  	p0 =	sne.s32 s28, $0x1E0;
	s26 =	sadd.s32 $0x100, s26;
	s24 =	sadd.s32 $0x20, s24  }
0x154: {  	s29 =	smov.u32 s28;
	s28 =	sadd.s32 $0x20, s28;
	s1 =	sand.u32 $0xC00, s26;
	v0 =	vadd.f32 v1, v0  }
0x155: {  	s11 =	sand.u32 $0x60, s29;
	s31 =	sadd.s32 $0x1C700, s1  }
0x156: {  	s30 =	sor.u32 $0x10, s11;
	s1 =	sor.u32 s11, s31;
	[tilespmem:s0+$0x1D700] =	vst v0  }
0x157: {  	v0 =	vld [tilespmem:s1+$0x180]  }
0x158: {  	v1 =	vld [tilespmem:s1+$0x0]  }
0x159: {  	v2 =	vld [tilespmem:s1+$0x80]  }
0x15a: {  	v3 =	vld [tilespmem:s1+$0x100];
	_ =	sdelay $0x1  }
0x15b: {  	v4 =	vld [tilespmem:s1+$0x200]  }
0x15c: {  	v5 =	vld [tilespmem:s1+$0x280]  }
0x15d: {  	v6 =	vld [tilespmem:s1+$0x380]  }
0x15e: {  	v7 =	vld [tilespmem:s1+$0x300]  }
0x15f: {  	v1 =	vld.idx.msk [tilespmem:v1+s2+$0x0], $0xffff  }
0x160: {  	v2 =	vld.idx.msk [tilespmem:v2+s2+$0x0], $0xffff  }
0x161: {  	v3 =	vld.idx.msk [tilespmem:v3+s2+$0x0], $0xffff  }
0x162: {  	v0 =	vld.idx.msk [tilespmem:v0+s2+$0x0], $0xffff  }
0x163: {  	v4 =	vld.idx.msk [tilespmem:v4+s2+$0x0], $0xffff  }
0x164: {  	v5 =	vld.idx.msk [tilespmem:v5+s2+$0x0], $0xffff  }
0x165: {  	v1 =	vshll.u32 v1, $0x10;
	v6 =	vld.idx.msk [tilespmem:v6+s2+$0x0], $0xffff  }
0x166: {  	v1 =	vadd.f32 $0.0e+00, v1;
	v2 =	vshll.u32 v2, $0x10;
	v7 =	vld.idx.msk [tilespmem:v7+s2+$0x0], $0xffff  }
0x167: {  	v2 =	vadd.f32 $0.0e+00, v2;
	v3 =	vshll.u32 v3, $0x10  }
0x168: {  	v1 =	vadd.f32 v3, v1;
	v0 =	vshll.u32 v0, $0x10  }
0x169: {  	v0 =	vadd.f32 v0, v2;
	v2 =	vshll.u32 v4, $0x10  }
0x16a: {  	v1 =	vadd.f32 v2, v1;
	v2 =	vshll.u32 v5, $0x10  }
0x16b: {  	v0 =	vadd.f32 v2, v0  }
0x16c: {  	v3 =	vshll.u32 v6, $0x10;
	v2 =	vshll.u32 v7, $0x10;
	v4 =	vld [tilespmem:s24+$0x0]  }
0x16d: {  	v1 =	vadd.f32 v2, v1;
	v0 =	vadd.f32 v3, v0;
	_ =	sdelay $0x1  }
0x16e: {  	v0 =	vadd.f32 v0, v1;
	_ =	sdelay $0x1  }
0x16f: {  	v0 =	vadd.f32 v0, v4;
	_ =	sdelay $0x1  }
0x170: {  	s0 =	sor.u32 s30, s31;
	[tilespmem:s24+$0x0] =	vst v0  }
0x171: {  	v0 =	vld [tilespmem:s0+$0x0]  }
0x172: {  	v1 =	vld [tilespmem:s0+$0x80]  }
0x173: {  	v2 =	vld [tilespmem:s0+$0x100]  }
0x174: {  	v3 =	vld [tilespmem:s0+$0x180]  }
0x175: {  	v4 =	vld [tilespmem:s0+$0x200]  }
0x176: {  	v5 =	vld [tilespmem:s0+$0x280]  }
0x177: {  	v6 =	vld [tilespmem:s0+$0x380]  }
0x178: {  	v7 =	vld [tilespmem:s0+$0x300]  }
0x179: {  	v0 =	vld.idx.msk [tilespmem:v0+s2+$0x0], $0xffff  }
0x17a: {  	v1 =	vld.idx.msk [tilespmem:v1+s2+$0x0], $0xffff  }
0x17b: {  	v2 =	vld.idx.msk [tilespmem:v2+s2+$0x0], $0xffff  }
0x17c: {  	v3 =	vld.idx.msk [tilespmem:v3+s2+$0x0], $0xffff  }
0x17d: {  	v4 =	vld.idx.msk [tilespmem:v4+s2+$0x0], $0xffff  }
0x17e: {  	v5 =	vld.idx.msk [tilespmem:v5+s2+$0x0], $0xffff  }
0x17f: {  	v0 =	vshll.u32 v0, $0x10;
	v6 =	vld.idx.msk [tilespmem:v6+s2+$0x0], $0xffff  }
0x180: {  	v0 =	vadd.f32 $0.0e+00, v0;
	v1 =	vshll.u32 v1, $0x10;
	v7 =	vld.idx.msk [tilespmem:v7+s2+$0x0], $0xffff  }
0x181: {  	v1 =	vadd.f32 $0.0e+00, v1;
	v2 =	vshll.u32 v2, $0x10  }
0x182: {  	v0 =	vadd.f32 v2, v0;
	v2 =	vshll.u32 v3, $0x10  }
0x183: {  	v1 =	vadd.f32 v2, v1;
	v2 =	vshll.u32 v4, $0x10  }
0x184: {  	s0 =	sand.u32 $0x180, s29;
	v2 =	vadd.f32 v2, v0;
	v0 =	vshll.u32 v5, $0x10  }
.Ltmp3:
0x185: {  	s0 =	sor.u32 s30, s0;
	v1 =	vadd.f32 v0, v1;
	(pc) =	sbr.rel @p0 .LBB2_7-.Ltmp3, $3  }
0x186: {  	v4 =	vshll.u32 v6, $0x10;
	v3 =	vshll.u32 v7, $0x10;
	v0 =	vld [tilespmem:s0+$0x1D700]  }
0x187: {  	v2 =	vadd.f32 v3, v2;
	v1 =	vadd.f32 v4, v1;
	_ =	sdelay $0x1  }
0x188: {  	v1 =	vadd.f32 v1, v2  }
0x189: {  	p0 =	seq.s32 s23, $0xB  }
.Ltmp4:
0x18a: {  	_ = 	snop;
	(pc) =	sbr.rel @p0 .LBB2_10-.Ltmp4, $3  }
0x18b: {  	_ = 	snop  }
0x18c: {  	v0 =	vadd.f32 v1, v0;
	_ =	sdelay $0x1  }
0x18d: {  	[tilespmem:s0+$0x1D700] =	vst v0  }
.Ltmp5:
0x18e: {  	(pc) =	sbr.rel .LBB2_4-.Ltmp5, $3  }
0x18f: {  	_ =	sdelay $0x1  }
0x190: {  	s0 =	sadd.s32 s25, s8;
	s23 =	sadd.s32 $0x1, s23  }
0x191: {  	[tilespmem:s15], [sflag:$0x3] =	stream.linear.gather [hbm4b:s0+s2], $0x1000, $0x38;
	[tilespmem:$0x1D900] =	vst v63  }
.LBB2_10:
0x192: {  	s22 =	simm.s32 $0x0  }
0x193: {  	_ =	swait.ge [sflag:s17], $0x1000;
	s0 =	sand.u32 $0xC00, s22  }
0x194: {  	[sflag:s17] =	ssyncset.done $0x0;
	s1 =	sand.u32 $0x60, s22;
	s0 =	sadd.s32 $0x1B700, s0  }
0x195: {  	[sflag:s17] =	ssyncadd.s32 $0xFFFFF000;
	s11 =	sor.u32 s1, s0  }
0x196: {  	v0 =	vld [tilespmem:s11+$0x0]  }
0x197: {  	v1 =	vld [tilespmem:s11+$0x80]  }
0x198: {  	v2 =	vld [tilespmem:s11+$0x100]  }
0x199: {  	v3 =	vld [tilespmem:s11+$0x180]  }
0x19a: {  	v4 =	vld [tilespmem:s11+$0x200]  }
0x19b: {  	v5 =	vld [tilespmem:s11+$0x280]  }
0x19c: {  	v6 =	vld [tilespmem:s11+$0x380]  }
0x19d: {  	v7 =	vld [tilespmem:s11+$0x300]  }
0x19e: {  	v0 =	vld.idx.msk [tilespmem:v0+s2+$0x0], $0xffff  }
0x19f: {  	v1 =	vld.idx.msk [tilespmem:v1+s2+$0x0], $0xffff  }
0x1a0: {  	v2 =	vld.idx.msk [tilespmem:v2+s2+$0x0], $0xffff  }
0x1a1: {  	v3 =	vld.idx.msk [tilespmem:v3+s2+$0x0], $0xffff  }
0x1a2: {  	v4 =	vld.idx.msk [tilespmem:v4+s2+$0x0], $0xffff  }
0x1a3: {  	v5 =	vld.idx.msk [tilespmem:v5+s2+$0x0], $0xffff  }
0x1a4: {  	v6 =	vld.idx.msk [tilespmem:v6+s2+$0x0], $0xffff;
	v0 =	vshll.u32 v0, $0x10;
	v1 =	vshll.u32 v1, $0x10  }
0x1a5: {  	v7 =	vld.idx.msk [tilespmem:v7+s2+$0x0], $0xffff;
	v0 =	vadd.f32 $0.0e+00, v0;
	v1 =	vadd.f32 $0.0e+00, v1  }
0x1a6: {  	v2 =	vshll.u32 v2, $0x10;
	v3 =	vshll.u32 v3, $0x10  }
0x1a7: {  	v0 =	vadd.f32 v2, v0;
	v1 =	vadd.f32 v3, v1  }
0x1a8: {  	v2 =	vshll.u32 v4, $0x10;
	v3 =	vshll.u32 v5, $0x10  }
0x1a9: {  	s23 =	simm.s32 $0x1D700;
	v0 =	vadd.f32 v2, v0;
	v1 =	vadd.f32 v3, v1  }
0x1aa: {  	v59 =	vld [tilespmem:s23+$0x0];
	v2 =	vshll.u32 v7, $0x10;
	v3 =	vshll.u32 v6, $0x10  }
0x1ab: {  	v0 =	vadd.f32 v2, v0;
	v1 =	vadd.f32 v3, v1;
	_ =	sdelay $0x1  }
0x1ac: {  	v0 =	vadd.f32 v1, v0;
	_ =	sdelay $0x1  }
0x1ad: {  	v0 =	vadd.f32 v0, v59  }
0x1ae: {  	s1 =	sor.u32 $0x10, s1  }
0x1af: {  	s0 =	sor.u32 s1, s0;
	[tilespmem:s23+$0x0] =	vst v0  }
0x1b0: {  	v0 =	vld [tilespmem:s0+$0x0]  }
0x1b1: {  	v1 =	vld [tilespmem:s0+$0x80]  }
0x1b2: {  	v2 =	vld [tilespmem:s0+$0x100]  }
0x1b3: {  	v3 =	vld [tilespmem:s0+$0x180]  }
0x1b4: {  	v60 =	vld [tilespmem:s0+$0x200]  }
0x1b5: {  	v61 =	vld [tilespmem:s0+$0x280]  }
0x1b6: {  	v63 =	vld [tilespmem:s0+$0x300]  }
0x1b7: {  	v62 =	vld [tilespmem:s0+$0x380]  }
0x1b8: {  	v0 =	vld.idx.msk [tilespmem:v0+s2+$0x0], $0xffff  }
0x1b9: {  	v1 =	vld.idx.msk [tilespmem:v1+s2+$0x0], $0xffff  }
0x1ba: {  	v2 =	vld.idx.msk [tilespmem:v2+s2+$0x0], $0xffff  }
0x1bb: {  	v3 =	vld.idx.msk [tilespmem:v3+s2+$0x0], $0xffff  }
0x1bc: {  	v4 =	vld.idx.msk [tilespmem:v60+s2+$0x0], $0xffff  }
0x1bd: {  	v5 =	vld.idx.msk [tilespmem:v61+s2+$0x0], $0xffff;
	v0 =	vshll.u32 v0, $0x10  }
0x1be: {  	v7 =	vld.idx.msk [tilespmem:v63+s2+$0x0], $0xffff;
	v1 =	vshll.u32 v1, $0x10;
	v0 =	vadd.f32 $0.0e+00, v0  }
0x1bf: {  	v6 =	vld.idx.msk [tilespmem:v62+s2+$0x0], $0xffff;
	v2 =	vshll.u32 v2, $0x10;
	v1 =	vadd.f32 $0.0e+00, v1  }
0x1c0: {  	v3 =	vshll.u32 v3, $0x10;
	v0 =	vadd.f32 v2, v0  }
0x1c1: {  	v1 =	vadd.f32 v3, v1;
	v2 =	vshll.u32 v4, $0x10  }
0x1c2: {  	s31 =	sand.u32 $0x180, s22;
	v3 =	vshll.u32 v5, $0x10;
	v0 =	vadd.f32 v2, v0  }
0x1c3: {  	s0 =	sor.u32 s1, s31;
	v1 =	vadd.f32 v3, v1;
	v2 =	vshll.u32 v7, $0x10  }
0x1c4: {  	v3 =	vshll.u32 v6, $0x10;
	v2 =	vadd.f32 v2, v0;
	v0 =	vld [tilespmem:s0+$0x1D700]  }
0x1c5: {  	v1 =	vadd.f32 v3, v1;
	_ =	sdelay $0x1  }
0x1c6: {  	s24 =	simm.s32 $0x20;
	v1 =	vadd.f32 v1, v2  }
.LBB2_11:
0x1c7: {  	p0 =	sne.s32 s24, $0x1E0;
	s22 =	sadd.s32 $0x100, s22;
	s23 =	sadd.s32 $0x20, s23  }
0x1c8: {  	s25 =	smov.u32 s24;
	s24 =	sadd.s32 $0x20, s24;
	s1 =	sand.u32 $0xC00, s22;
	v0 =	vadd.f32 v1, v0  }
0x1c9: {  	s11 =	sand.u32 $0x60, s25;
	s28 =	sadd.s32 $0x1B700, s1  }
0x1ca: {  	s26 =	sor.u32 $0x10, s11;
	s1 =	sor.u32 s11, s28;
	[tilespmem:s0+$0x1D700] =	vst v0  }
0x1cb: {  	v0 =	vld [tilespmem:s1+$0x180]  }
0x1cc: {  	v1 =	vld [tilespmem:s1+$0x0]  }
0x1cd: {  	v2 =	vld [tilespmem:s1+$0x80]  }
0x1ce: {  	v3 =	vld [tilespmem:s1+$0x100];
	_ =	sdelay $0x1  }
0x1cf: {  	v4 =	vld [tilespmem:s1+$0x200]  }
0x1d0: {  	v5 =	vld [tilespmem:s1+$0x280]  }
0x1d1: {  	v6 =	vld [tilespmem:s1+$0x380]  }
0x1d2: {  	v7 =	vld [tilespmem:s1+$0x300]  }
0x1d3: {  	v1 =	vld.idx.msk [tilespmem:v1+s2+$0x0], $0xffff  }
0x1d4: {  	v2 =	vld.idx.msk [tilespmem:v2+s2+$0x0], $0xffff  }
0x1d5: {  	v3 =	vld.idx.msk [tilespmem:v3+s2+$0x0], $0xffff  }
0x1d6: {  	v0 =	vld.idx.msk [tilespmem:v0+s2+$0x0], $0xffff  }
0x1d7: {  	v4 =	vld.idx.msk [tilespmem:v4+s2+$0x0], $0xffff  }
0x1d8: {  	v5 =	vld.idx.msk [tilespmem:v5+s2+$0x0], $0xffff  }
0x1d9: {  	v1 =	vshll.u32 v1, $0x10;
	v6 =	vld.idx.msk [tilespmem:v6+s2+$0x0], $0xffff  }
0x1da: {  	v1 =	vadd.f32 $0.0e+00, v1;
	v2 =	vshll.u32 v2, $0x10;
	v7 =	vld.idx.msk [tilespmem:v7+s2+$0x0], $0xffff  }
0x1db: {  	v2 =	vadd.f32 $0.0e+00, v2;
	v3 =	vshll.u32 v3, $0x10  }
0x1dc: {  	v1 =	vadd.f32 v3, v1;
	v0 =	vshll.u32 v0, $0x10  }
0x1dd: {  	v0 =	vadd.f32 v0, v2;
	v2 =	vshll.u32 v4, $0x10  }
0x1de: {  	v1 =	vadd.f32 v2, v1;
	v2 =	vshll.u32 v5, $0x10  }
0x1df: {  	v0 =	vadd.f32 v2, v0  }
0x1e0: {  	v3 =	vshll.u32 v6, $0x10;
	v2 =	vshll.u32 v7, $0x10;
	v4 =	vld [tilespmem:s23+$0x0]  }
0x1e1: {  	v1 =	vadd.f32 v2, v1;
	v0 =	vadd.f32 v3, v0;
	_ =	sdelay $0x1  }
0x1e2: {  	v0 =	vadd.f32 v0, v1;
	_ =	sdelay $0x1  }
0x1e3: {  	v0 =	vadd.f32 v0, v4;
	_ =	sdelay $0x1  }
0x1e4: {  	s0 =	sor.u32 s26, s28;
	[tilespmem:s23+$0x0] =	vst v0  }
0x1e5: {  	v0 =	vld [tilespmem:s0+$0x0]  }
0x1e6: {  	v1 =	vld [tilespmem:s0+$0x80]  }
0x1e7: {  	v2 =	vld [tilespmem:s0+$0x100]  }
0x1e8: {  	v3 =	vld [tilespmem:s0+$0x180]  }
0x1e9: {  	v4 =	vld [tilespmem:s0+$0x200]  }
0x1ea: {  	v5 =	vld [tilespmem:s0+$0x280]  }
0x1eb: {  	v6 =	vld [tilespmem:s0+$0x380]  }
0x1ec: {  	v7 =	vld [tilespmem:s0+$0x300]  }
0x1ed: {  	v0 =	vld.idx.msk [tilespmem:v0+s2+$0x0], $0xffff  }
0x1ee: {  	v1 =	vld.idx.msk [tilespmem:v1+s2+$0x0], $0xffff  }
0x1ef: {  	v2 =	vld.idx.msk [tilespmem:v2+s2+$0x0], $0xffff  }
0x1f0: {  	v3 =	vld.idx.msk [tilespmem:v3+s2+$0x0], $0xffff  }
0x1f1: {  	v4 =	vld.idx.msk [tilespmem:v4+s2+$0x0], $0xffff  }
0x1f2: {  	v5 =	vld.idx.msk [tilespmem:v5+s2+$0x0], $0xffff  }
0x1f3: {  	v0 =	vshll.u32 v0, $0x10;
	v6 =	vld.idx.msk [tilespmem:v6+s2+$0x0], $0xffff  }
0x1f4: {  	v0 =	vadd.f32 $0.0e+00, v0;
	v1 =	vshll.u32 v1, $0x10;
	v7 =	vld.idx.msk [tilespmem:v7+s2+$0x0], $0xffff  }
0x1f5: {  	v1 =	vadd.f32 $0.0e+00, v1;
	v2 =	vshll.u32 v2, $0x10  }
0x1f6: {  	v0 =	vadd.f32 v2, v0;
	v2 =	vshll.u32 v3, $0x10  }
0x1f7: {  	v1 =	vadd.f32 v2, v1;
	v2 =	vshll.u32 v4, $0x10  }
0x1f8: {  	s0 =	sand.u32 $0x180, s25;
	v2 =	vadd.f32 v2, v0;
	v0 =	vshll.u32 v5, $0x10  }
.Ltmp6:
0x1f9: {  	s0 =	sor.u32 s26, s0;
	v1 =	vadd.f32 v0, v1;
	(pc) =	sbr.rel @p0 .LBB2_11-.Ltmp6, $3  }
0x1fa: {  	v4 =	vshll.u32 v6, $0x10;
	v3 =	vshll.u32 v7, $0x10;
	v0 =	vld [tilespmem:s0+$0x1D700]  }
0x1fb: {  	v2 =	vadd.f32 v3, v2;
	v1 =	vadd.f32 v4, v1;
	_ =	sdelay $0x1  }
0x1fc: {  	v1 =	vadd.f32 v1, v2  }
0x1fd: {  	_ = 	snop  }
0x1fe: {  	s21 =	sadd.s32 $0x1, s21;
	v0 =	vadd.f32 v1, v0  }
0x1ff: {  	p0 =	sne.s32 s21, s10  }
.Ltmp7:
0x200: {  	[tilespmem:s0+$0x1D700] =	vst v0;
	(pc) =	sbr.rel @p0 .LBB2_1-.Ltmp7, $4  }
0x201: {  	[hbm4b:s9+s2] =	stream.linear.scatter [tilespmem:s19], [sflag:$0x4], $0x200, $0x38;
	[tilespmem:$0x1D900] =	vst v63  }
0x202: {  	_ =	swait.ge [sflag:s20], $0x200  }
0x203: {  	[sflag:s20] =	ssyncset.done $0x0  }
0x204: {  	[sflag:s20] =	ssyncadd.s32 $0xFFFFFE00  }
0x205: {  	_ =	sfence.sel $0x180000  }
0x206: {  	[bflag:$0x0] =	sbarrier.arrive $0xFFFF  }
0x207: {  	_ =	strace $0x90000047  }
0x208: {  	s0 =	stileid.u32;
	[bflag:$0x2] =	sbarrier.arrive $0xFFFF  }
0x209: {  	p0 =	sne.s32 s0, $0x0;
	s0 =	rddreg [dreg:$0x4]  }
0x20a: {  	s0 =	sadd.s32 @!p0 $0x100000, s0  }
0x20b: {  	[sflag:s0] =	ssyncadd.tile.s32 @!p0 $0x1;
	_ =	shalt  }
.Lfunc_end2:
_tile_overlayer_lowered:
.L_overlay_start_2:
0x20c: {  	(tag) =	ssettag $0x2  }
0x20d: {  	s0 =	rddreg [dreg:$0x0];
	s2 =	stileid.u32  }
0x20e: {  	s1 =	rddreg [dreg:$0x1];
	p0 =	sne.s32 s2, $0x0  }
0x20f: {  	s3 =	rddreg [dreg:$0x2];
	[bflag:$0x3] =	sbarrier.arrive $0xFFFF;
	s2 =	simm.s32 @!p0 $0x1C04  }
0x210: {  	[timem:s3], [sflag:s2] =	dma.local @!p0 [hbm:s0], s1  }
0x211: {  	s0 =	simm.s32 @!p0 $0x4  }
0x212: {  	_ =	swait.ge @!p0 [sflag:s0], s1  }
0x213: {  	s1 =	ssub.s32 @!p0 $0x0, s1;
	[sflag:s0] =	ssyncset.done @!p0 $0x0  }
0x214: {  	[sflag:s0] =	ssyncadd.s32 @!p0 s1  }
0x215: {  	[bflag:$0x3] =	sbarrier.arrive $0xFFFF  }
0x216: {  	_ =	shalt  }

</sc_bundles>
